<compile_context>
chip_gen: v7x
topology: tpu7x:2x2x1
jax: 0.10.2.dev20260603
libtpu: 0.0.44.dev20260713+nightly
codegen_flags: <defaults>
</compile_context>

<pallas_src>
import functools
import math

import jax
import jax.numpy as jnp
import numpy as np
from jax import lax
from jax.experimental import pallas as pl
from jax.experimental.pallas import tpu as pltpu
from jax.experimental.pallas import tpu_sc as plsc

N_IDX = 65536
OUT_FLAT = 6 * 256 * 256
NW = 32
PER_W = OUT_FLAT // NW
CHUNK = 2048
NCHUNK = N_IDX // CHUNK
TBL = 6 * 4096
SENT = 0x7FFFFFFF


LISTP = PER_W + 16
LROWS = PER_W // 16


def _sc_scatter(p5, p6, p7, p8, t1, t2, t3, p1f):
    mesh = plsc.VectorSubcoreMesh(core_axis_name="c", subcore_axis_name="s")
    f32 = jnp.float32
    i32 = jnp.int32
    out_sd = jax.ShapeDtypeStruct((OUT_FLAT,), f32)

    @functools.partial(
        pl.kernel, mesh=mesh,
        out_type=(out_sd, out_sd, out_sd),
        compiler_params=pltpu.CompilerParams(needs_layout_passes=False),
        scratch_types=[
            pltpu.VMEM((PER_W,), f32),
            pltpu.VMEM((PER_W,), f32),
            pltpu.VMEM((PER_W,), f32),
            pltpu.VMEM((PER_W,), i32),
            pltpu.VMEM((2 * CHUNK,), i32),
            pltpu.VMEM((2 * CHUNK,), i32),
            pltpu.VMEM((2 * CHUNK,), i32),
            pltpu.VMEM((2 * CHUNK,), i32),
            pltpu.VMEM((LISTP,), i32),
            pltpu.VMEM((LISTP,), i32),
            pltpu.VMEM((LISTP,), f32),
            pltpu.VMEM((LISTP,), f32),
            pltpu.VMEM((LISTP,), f32),
            pltpu.SemaphoreType.DMA((2,)),
            pltpu.SemaphoreType.DMA,
        ],
    )
    def k(p5_h, p6_h, p7_h, p8_h, t1_h, t2_h, t3_h, p1_h,
          o1_h, o2_h, o3_h,
          o1_v, o2_v, o3_v, own_v, i5_v, i6_v, i7_v, i8_v,
          soffl, gidxl, v1b, v2b, v3b, dsem, sem):
        wid = lax.axis_index("s") * 2 + lax.axis_index("c")
        lo = wid * PER_W
        pltpu.async_copy(p1_h.at[pl.ds(lo, PER_W)], o1_v, sem)
        pltpu.async_copy(p1_h.at[pl.ds(lo, PER_W)], o2_v, sem)
        pltpu.async_copy(p1_h.at[pl.ds(lo, PER_W)], o3_v, sem)
        lane = lax.iota(i32, 16)

        def init_body(vi, carry):
            own_v[pl.ds(vi * 16, 16)] = jnp.full((16,), -1, i32)
            gidxl[pl.ds(vi * 16, 16)] = jnp.zeros((16,), i32)
            return carry

        lax.fori_loop(0, LROWS, init_body, 0, unroll=8)
        gidxl[pl.ds(PER_W, 16)] = jnp.zeros((16,), i32)

        lane_next = jnp.minimum(lane + 1, 15)[:, None]
        last_lane = lane == 15
        gdn = lax.GatherDimensionNumbers(
            offset_dims=(), collapsed_slice_dims=(0,), start_index_map=(0,))

        def stage(ci):
            par = ci & 1
            base = ci * CHUNK
            pltpu.async_copy(p5_h.at[pl.ds(base, CHUNK)], i5_v.at[pl.ds(par * CHUNK, CHUNK)],
                             dsem.at[par])
            pltpu.async_copy(p6_h.at[pl.ds(base, CHUNK)], i6_v.at[pl.ds(par * CHUNK, CHUNK)],
                             dsem.at[par])
            pltpu.async_copy(p7_h.at[pl.ds(base, CHUNK)], i7_v.at[pl.ds(par * CHUNK, CHUNK)],
                             dsem.at[par])
            pltpu.async_copy(p8_h.at[pl.ds(base, CHUNK)], i8_v.at[pl.ds(par * CHUNK, CHUNK)],
                             dsem.at[par])

        def stage_wait(ci):
            par = ci & 1
            base = ci * CHUNK
            pltpu.make_async_copy(p5_h.at[pl.ds(base, CHUNK)], i5_v.at[pl.ds(par * CHUNK, CHUNK)],
                                  dsem.at[par]).wait()
            pltpu.make_async_copy(p6_h.at[pl.ds(base, CHUNK)], i6_v.at[pl.ds(par * CHUNK, CHUNK)],
                                  dsem.at[par]).wait()
            pltpu.make_async_copy(p7_h.at[pl.ds(base, CHUNK)], i7_v.at[pl.ds(par * CHUNK, CHUNK)],
                                  dsem.at[par]).wait()
            pltpu.make_async_copy(p8_h.at[pl.ds(base, CHUNK)], i8_v.at[pl.ds(par * CHUNK, CHUNK)],
                                  dsem.at[par]).wait()

        stage(0)

        def chunk_body(ci, carry):
            par = ci & 1
            stage_wait(ci)

            @pl.when(ci + 1 < NCHUNK)
            def _():
                stage(ci + 1)

            @plsc.parallel_loop(0, CHUNK // 16, unroll=4)
            def compute_body(vi):
                off = vi * 16
                v5 = i5_v[pl.ds(par * CHUNK + off, 16)]
                v6 = i6_v[pl.ds(par * CHUNK + off, 16)]
                v7 = i7_v[pl.ds(par * CHUNK + off, 16)]
                v8 = i8_v[pl.ds(par * CHUNK + off, 16)]
                sidx = v5 * 65536 + v7 * 256 + v8
                gidx = v5 * 4096 + v6
                m = (sidx >= lo) & (sidx < lo + PER_W)
                key = jnp.where(m, sidx * 16 + lane, SENT)
                skey, sgid = plsc.sort_key_val(key, gidx)
                nxt = lax.gather(skey, lane_next, gdn, (1,),
                                 mode=lax.GatherScatterMode.PROMISE_IN_BOUNDS)
                shi = skey >> 4
                keep = ((shi != (nxt >> 4)) | last_lane) & (skey != SENT)
                packed = jnp.where(keep, ((shi - lo) << 15) | sgid, -1)
                v1b[pl.ds(off, 16)] = plsc.bitcast(packed, jnp.float32)

            def commit_body(vi, carry2):
                off = vi * 16
                pk = plsc.bitcast(v1b[pl.ds(off, 16)], jnp.int32)
                plsc.store_scatter(own_v, [pk >> 15], pk & 0x7FFF,
                                   mask=pk >= 0)
                return carry2

            return lax.fori_loop(0, CHUNK // 16, commit_body, carry,
                                 unroll=8)

        lax.fori_loop(0, NCHUNK, chunk_body, 0)

        def compact_body(vi, cur):
            w = own_v[pl.ds(vi * 16, 16)]
            hit = w >= 0
            plsc.store_compressed(soffl.at[pl.ds(cur, 16)],
                                  lane + vi * 16, mask=hit)
            plsc.store_compressed(gidxl.at[pl.ds(cur, 16)], w, mask=hit)
            return cur + jnp.max(plsc.all_reduce_population_count(hit))

        kcnt = lax.fori_loop(0, LROWS, compact_body, 0)
        pltpu.make_async_copy(p1_h.at[pl.ds(lo, PER_W)], o1_v, sem).wait()
        pltpu.make_async_copy(p1_h.at[pl.ds(lo, PER_W)], o2_v, sem).wait()
        pltpu.make_async_copy(p1_h.at[pl.ds(lo, PER_W)], o3_v, sem).wait()

        rows = (kcnt + 127) >> 7

        def gather_body(r, carry):
            rb = r * 128
            idxs = gidxl.at[pl.ds(rb, 128)]
            pltpu.async_copy(t1_h.at[idxs], v1b.at[pl.ds(rb, 128)], sem)
            pltpu.async_copy(t2_h.at[idxs], v2b.at[pl.ds(rb, 128)], sem)
            pltpu.async_copy(t3_h.at[idxs], v3b.at[pl.ds(rb, 128)], sem)
            pltpu.make_async_copy(t1_h.at[idxs], v1b.at[pl.ds(rb, 128)],
                                  sem).wait()
            pltpu.make_async_copy(t2_h.at[idxs], v2b.at[pl.ds(rb, 128)],
                                  sem).wait()
            pltpu.make_async_copy(t3_h.at[idxs], v3b.at[pl.ds(rb, 128)],
                                  sem).wait()
            return carry

        lax.fori_loop(0, rows, gather_body, 0)

        def deliver_body(vi, carry):
            base = vi * 16
            valid = (lane + base) < kcnt
            so = soffl[pl.ds(base, 16)]
            plsc.store_scatter(o1_v, [so], v1b[pl.ds(base, 16)], mask=valid)
            plsc.store_scatter(o2_v, [so], v2b[pl.ds(base, 16)], mask=valid)
            plsc.store_scatter(o3_v, [so], v3b[pl.ds(base, 16)], mask=valid)
            return carry

        lax.fori_loop(0, (kcnt + 15) >> 4, deliver_body, 0)

        pltpu.sync_copy(o1_v, o1_h.at[pl.ds(lo, PER_W)])
        pltpu.sync_copy(o2_v, o2_h.at[pl.ds(lo, PER_W)])
        pltpu.sync_copy(o3_v, o3_h.at[pl.ds(lo, PER_W)])

    return k(p5, p6, p7, p8, t1, t2, t3, p1f)


def _tc_chain_body(ip1_ref, ip2_ref, ip3_ref, p3_ref, x_ref, scal_ref,
                   cos_ref, sin_ref, re_ref, im_ref):
    t = jax.lax.broadcasted_iota(jnp.int32, (1, 256), 1).astype(jnp.float32) * (2.0 * math.pi)

    def env(freq, phase):
        s = jnp.sin(t * freq + phase)
        return s * s * 0.1 + 0.95

    e1 = env(scal_ref[0, 0], scal_ref[0, 1])
    e2 = env(scal_ref[0, 2], scal_ref[0, 3])
    e3 = env(scal_ref[0, 4], scal_ref[0, 5])
    cosm = cos_ref[...]
    sinm = sin_ref[...]

    for b in range(6):
        m = p3_ref[b] * 0.975
        a1 = ip1_ref[b] + m
        a2 = ip2_ref[b] + m
        a3 = ip3_ref[b] + m
        x = x_ref[:, b, :]
        v3 = jnp.dot(x, a1, preferred_element_type=jnp.float32)
        d = v3 / e1
        v7 = jnp.dot(d, a2, preferred_element_type=jnp.float32)
        m12 = v7 * e2
        v11 = jnp.dot(m12, a3, preferred_element_type=jnp.float32)
        d1 = v11 / e3
        re_ref[:, b, :] = jnp.dot(d1, cosm, preferred_element_type=jnp.float32)
        im_ref[:, b, :] = jnp.dot(d1, sinm, preferred_element_type=jnp.float32)


def _tc_chain(ip1, ip2, ip3, p3, x, scal, cosm, sinm):
    out_sd = jax.ShapeDtypeStruct((12, 6, 129), jnp.float32)
    return pl.pallas_call(
        _tc_chain_body,
        out_shape=(out_sd, out_sd),
        in_specs=[
            pl.BlockSpec(memory_space=pltpu.VMEM),
            pl.BlockSpec(memory_space=pltpu.VMEM),
            pl.BlockSpec(memory_space=pltpu.VMEM),
            pl.BlockSpec(memory_space=pltpu.VMEM),
            pl.BlockSpec(memory_space=pltpu.VMEM),
            pl.BlockSpec(memory_space=pltpu.SMEM),
            pl.BlockSpec(memory_space=pltpu.VMEM),
            pl.BlockSpec(memory_space=pltpu.VMEM),
        ],
    )(ip1, ip2, ip3, p3, x, scal, cosm, sinm)


def kernel(primals_1, primals_2, primals_3, primals_4, primals_5, primals_6,
           primals_7, primals_8, primals_9, primals_10, primals_11,
           primals_12, primals_13, primals_14, primals_15, primals_16,
           primals_17, primals_18, primals_19, primals_20, primals_21,
           primals_22, primals_23, primals_24, primals_25, primals_26,
           primals_27, primals_28, primals_29, primals_30, primals_31,
           primals_32, primals_33, primals_34, primals_35, primals_36,
           primals_37):
    p5 = primals_5.astype(jnp.int32)
    p6 = primals_6.astype(jnp.int32)
    p7 = primals_7.astype(jnp.int32)
    p8 = primals_8.astype(jnp.int32)

    ip1f, ip2f, ip3f = _sc_scatter(
        p5, p6, p7, p8,
        primals_4.reshape(-1), primals_11.reshape(-1),
        primals_14.reshape(-1), primals_1.reshape(-1))
    ip1 = ip1f.reshape(6, 256, 256)
    ip2 = ip2f.reshape(6, 256, 256)
    ip3 = ip3f.reshape(6, 256, 256)

    scal = jnp.stack([primals_9, primals_10, primals_12, primals_13,
                      primals_15, primals_16, primals_16, primals_16]
                     ).reshape(1, 8).astype(jnp.float32)

    i = np.arange(256, dtype=np.float64)[:, None]
    j = np.arange(129, dtype=np.float64)[None, :]
    ang = (2.0 * math.pi / 256.0) * i * j
    cosm = jnp.asarray(np.cos(ang), dtype=jnp.float32)
    sinm = jnp.asarray(-np.sin(ang), dtype=jnp.float32)

    re, im = _tc_chain(ip1, ip2, ip3, primals_3, primals_2, scal, cosm, sinm)
    return jnp.stack((re, im), axis=-1)

# --- scband reference (transcript-rebuilt; emitter-appended) ---
"""Pipeline reference for scband-repro-87402584474058 (READ-ONLY COPY).

The authoritative reference and input builder live on the scoring server;
editing this copy changes nothing except your own understanding.
"""

import jax, jax.numpy as jnp
import numpy as np

N_IDX = 65536


def setup_inputs(seed: int = 0) -> dict:
    key = jax.random.key(seed)
    ks = jax.random.split(key, 48)
    inp = {}
    inp['primals_1'] = jax.random.normal(ks[0], (6, 256, 256), dtype=jnp.float32)
    inp['primals_2'] = jax.random.normal(ks[1], (12, 6, 256), dtype=jnp.float32)
    inp['primals_3'] = jax.random.normal(ks[2], (6, 256, 256), dtype=jnp.float32)
    inp['primals_4'] = jax.random.normal(ks[3], (6, 4096), dtype=jnp.float32)
    inp['primals_5'] = jax.random.randint(ks[4], (N_IDX,), 0, 6)
    inp['primals_6'] = jax.random.randint(ks[5], (N_IDX,), 0, 4096)
    inp['primals_7'] = jax.random.randint(ks[6], (N_IDX,), 0, 256)
    inp['primals_8'] = jax.random.randint(ks[7], (N_IDX,), 0, 256)
    inp['primals_9'] = jax.random.normal(ks[8], (), dtype=jnp.float32)
    inp['primals_10'] = jax.random.normal(ks[9], (), dtype=jnp.float32)
    inp['primals_11'] = jax.random.normal(ks[10], (6, 4096), dtype=jnp.float32)
    inp['primals_12'] = jax.random.normal(ks[11], (), dtype=jnp.float32)
    inp['primals_13'] = jax.random.normal(ks[12], (), dtype=jnp.float32)
    inp['primals_14'] = jax.random.normal(ks[13], (6, 4096), dtype=jnp.float32)
    inp['primals_15'] = jax.random.normal(ks[14], (), dtype=jnp.float32)
    inp['primals_16'] = jax.random.normal(ks[15], (), dtype=jnp.float32)
    for j in range(17, 38):
        inp['primals_%d' % j] = jax.random.normal(ks[16 + (j - 17)], (), dtype=jnp.float32)
    return inp


def reference(primals_1, primals_2, primals_3, primals_4, primals_5,
              primals_6, primals_7, primals_8, primals_9, primals_10,
              primals_11, primals_12, primals_13, primals_14, primals_15,
              primals_16, primals_17, primals_18, primals_19, primals_20,
              primals_21, primals_22, primals_23, primals_24, primals_25,
              primals_26, primals_27, primals_28, primals_29, primals_30,
              primals_31, primals_32, primals_33, primals_34, primals_35,
              primals_36, primals_37):
    # iota(256) * 1 + 0 -> float -> * 2 -> * pi
    t = jnp.arange(256, dtype=jnp.float32) * 2.0 * jnp.pi

    def env(freq, phase):
        # sin(t*freq + phase)^2 * 0.1 + 1 - 0.05
        return jnp.sin(t * freq + phase) ** 2 * 0.1 + 1.0 - 0.05

    m = primals_3 * 0.975  # mul by 0.975, reused in all three blocks

    def block(table, x):
        # index: gather table[primals_5, primals_6] -> [N]
        vals = table[primals_5, primals_6]
        # index_put (overwrite) into primals_1 at (primals_5, primals_7, primals_8)
        ip = primals_1.at[primals_5, primals_7, primals_8].set(vals)
        a = ip + m  # [6,256,256]
        # the unsqueeze/permute/view/bmm chain collapses to this einsum:
        # out[h,b,j] = sum_i x[h,b,i] * a[b,i,j]
        return jnp.einsum('hbi,bij->hbj', x, a)

    v3 = block(primals_4, primals_2)          # [12,6,256]
    d = v3 / env(primals_9, primals_10)
    v7 = block(primals_11, d)
    m12 = v7 * env(primals_12, primals_13)
    v11 = block(primals_14, m12)
    d1 = v11 / env(primals_15, primals_16)
    # constant_pad_nd([0,0]) is a no-op; then _fft_r2c over the last dim.
    # Original repro is truncated right after the rfft; we return the rfft
    # result as stacked (real, imag) float32 channels.
    f = jnp.fft.rfft(d1, axis=-1)  # [12,6,129] complex64
    return jnp.stack((jnp.real(f), jnp.imag(f)), axis=-1)  # [12,6,129,2] float32

if __name__ == "__main__":
    import jax
    _d = setup_inputs()
    print(jax.jit(kernel)(*tuple(_d.values())))

</pallas_src>

<mosaic_0001>
#map = affine_map<(d0, d1) -> (0)>
module attributes {stable_mosaic.version = 14 : i64} {
  func.func @k(%arg0: i32, %arg1: i32, %arg2: memref<65536xi32, #tpu.memory_space<hbm>>, %arg3: memref<65536xi32, #tpu.memory_space<hbm>>, %arg4: memref<65536xi32, #tpu.memory_space<hbm>>, %arg5: memref<65536xi32, #tpu.memory_space<hbm>>, %arg6: memref<24576xf32, #tpu.memory_space<hbm>>, %arg7: memref<24576xf32, #tpu.memory_space<hbm>>, %arg8: memref<24576xf32, #tpu.memory_space<hbm>>, %arg9: memref<393216xf32, #tpu.memory_space<hbm>>, %arg10: memref<393216xf32, #tpu.memory_space<hbm>>, %arg11: memref<393216xf32, #tpu.memory_space<hbm>>, %arg12: memref<393216xf32, #tpu.memory_space<hbm>>, %arg13: memref<12288xf32, #tpu.memory_space<vmem>>, %arg14: memref<12288xf32, #tpu.memory_space<vmem>>, %arg15: memref<12288xf32, #tpu.memory_space<vmem>>, %arg16: memref<12288xi32, #tpu.memory_space<vmem>>, %arg17: memref<4096xi32, #tpu.memory_space<vmem>>, %arg18: memref<4096xi32, #tpu.memory_space<vmem>>, %arg19: memref<4096xi32, #tpu.memory_space<vmem>>, %arg20: memref<4096xi32, #tpu.memory_space<vmem>>, %arg21: memref<12304xi32, #tpu.memory_space<vmem>>, %arg22: memref<12304xi32, #tpu.memory_space<vmem>>, %arg23: memref<12304xf32, #tpu.memory_space<vmem>>, %arg24: memref<12304xf32, #tpu.memory_space<vmem>>, %arg25: memref<12304xf32, #tpu.memory_space<vmem>>, %arg26: memref<2x!tpu.dma_semaphore, #tpu.memory_space<semaphore_mem>>, %arg27: memref<!tpu.dma_semaphore, #tpu.memory_space<semaphore_mem>>) attributes {dimension_semantics = [#tpu.dimension_semantics<core_parallel>, #tpu.dimension_semantics<subcore_parallel>], iteration_bounds = array<i64: 2, 16>, scalar_prefetch = 0 : i64, scratch_operands = 15 : i64, tpu.core_type = #tpu.core_type<sc_vector_subcore>, window_params = [{transform_indices = #map}, {transform_indices = #map}, {transform_indices = #map}, {transform_indices = #map}, {transform_indices = #map}, {transform_indices = #map}, {transform_indices = #map}, {transform_indices = #map}, {transform_indices = #map}, {transform_indices = #map}, {transform_indices = #map}]} {
    %mul3A = arith.constant 2 : i32
    %mul3A_0 = arith.muli %arg1, %mul3A : i32
    %add3A = arith.addi %mul3A_0, %arg0 : i32
    %mul3A_1 = arith.constant 12288 : i32
    %mul3A_2 = arith.muli %add3A, %mul3A_1 : i32
    %dma_start3A = tpu.memref_slice %arg9[%mul3A_2] : memref<393216xf32, #tpu.memory_space<hbm>> -> memref<12288xf32, #tpu.memory_space<hbm>>
    %dma_start3A_3 = tpu.memref_slice %arg9[%mul3A_2] : memref<393216xf32, #tpu.memory_space<hbm>> -> memref<12288xf32, #tpu.memory_space<hbm>>
    tpu.enqueue_dma source(%dma_start3A_3 : memref<12288xf32, #tpu.memory_space<hbm>>) target(%arg13 : memref<12288xf32, #tpu.memory_space<vmem>>) target_semaphore(%arg27 : memref<!tpu.dma_semaphore, #tpu.memory_space<semaphore_mem>>)
    %dma_start3A_4 = tpu.memref_slice %arg9[%mul3A_2] : memref<393216xf32, #tpu.memory_space<hbm>> -> memref<12288xf32, #tpu.memory_space<hbm>>
    %dma_start3A_5 = tpu.memref_slice %arg9[%mul3A_2] : memref<393216xf32, #tpu.memory_space<hbm>> -> memref<12288xf32, #tpu.memory_space<hbm>>
    tpu.enqueue_dma source(%dma_start3A_5 : memref<12288xf32, #tpu.memory_space<hbm>>) target(%arg14 : memref<12288xf32, #tpu.memory_space<vmem>>) target_semaphore(%arg27 : memref<!tpu.dma_semaphore, #tpu.memory_space<semaphore_mem>>)
    %dma_start3A_6 = tpu.memref_slice %arg9[%mul3A_2] : memref<393216xf32, #tpu.memory_space<hbm>> -> memref<12288xf32, #tpu.memory_space<hbm>>
    %dma_start3A_7 = tpu.memref_slice %arg9[%mul3A_2] : memref<393216xf32, #tpu.memory_space<hbm>> -> memref<12288xf32, #tpu.memory_space<hbm>>
    tpu.enqueue_dma source(%dma_start3A_7 : memref<12288xf32, #tpu.memory_space<hbm>>) target(%arg15 : memref<12288xf32, #tpu.memory_space<vmem>>) target_semaphore(%arg27 : memref<!tpu.dma_semaphore, #tpu.memory_space<semaphore_mem>>)
    %iota3A = tpu.iota {dimensions = array<i32: 0>} : vector<16xi32>
    %scan3A = arith.constant 0 : i32
    %scan3A_8 = arith.constant 0 : i32
    %scan3A_9 = arith.constant 768 : i32
    %scan3A_10 = arith.addi %scan3A_8, %scan3A_9 : i32
    %scan3A_11 = arith.constant 8 : i32
    scf.for %scan3A_111 = %scan3A_8 to %scan3A_10 step %scan3A_11  : i32 {
      %broadcast_in_dim3A_112 = arith.constant -1 : i32
      %broadcast_in_dim3A_113 = vector.broadcast %broadcast_in_dim3A_112 : i32 to vector<16xi32>
      %mul3A_114 = arith.constant 16 : i32
      %mul3A_115 = arith.muli %scan3A_111, %mul3A_114 : i32
      %swap3A_116 = arith.index_cast %mul3A_115 : i32 to index
      %swap3A_117 = tpu.vector_load %arg16[%swap3A_116] {strides = array<i32>} : memref<12288xi32, #tpu.memory_space<vmem>>, vector<16xi32>,
      tpu.vector_store %arg16[%swap3A_116], %broadcast_in_dim3A_113 {strides = array<i32>} : memref<12288xi32, #tpu.memory_space<vmem>>, vector<16xi32>,
      %broadcast_in_dim3A_118 = arith.constant 0 : i32
      %broadcast_in_dim3A_119 = vector.broadcast %broadcast_in_dim3A_118 : i32 to vector<16xi32>
      %mul3A_120 = arith.constant 16 : i32
      %mul3A_121 = arith.muli %scan3A_111, %mul3A_120 : i32
      %swap3A_122 = arith.index_cast %mul3A_121 : i32 to index
      %swap3A_123 = tpu.vector_load %arg22[%swap3A_122] {strides = array<i32>} : memref<12304xi32, #tpu.memory_space<vmem>>, vector<16xi32>,
      tpu.vector_store %arg22[%swap3A_122], %broadcast_in_dim3A_119 {strides = array<i32>} : memref<12304xi32, #tpu.memory_space<vmem>>, vector<16xi32>,
      %scan3A_124 = arith.constant 1 : i32
      %scan3A_125 = arith.addi %scan3A_111, %scan3A_124 : i32
      %broadcast_in_dim3A_126 = arith.constant -1 : i32
      %broadcast_in_dim3A_127 = vector.broadcast %broadcast_in_dim3A_126 : i32 to vector<16xi32>
      %mul3A_128 = arith.constant 16 : i32
      %mul3A_129 = arith.muli %scan3A_125, %mul3A_128 : i32
      %swap3A_130 = arith.index_cast %mul3A_129 : i32 to index
      %swap3A_131 = tpu.vector_load %arg16[%swap3A_130] {strides = array<i32>} : memref<12288xi32, #tpu.memory_space<vmem>>, vector<16xi32>,
      tpu.vector_store %arg16[%swap3A_130], %broadcast_in_dim3A_127 {strides = array<i32>} : memref<12288xi32, #tpu.memory_space<vmem>>, vector<16xi32>,
      %broadcast_in_dim3A_132 = arith.constant 0 : i32
      %broadcast_in_dim3A_133 = vector.broadcast %broadcast_in_dim3A_132 : i32 to vector<16xi32>
      %mul3A_134 = arith.constant 16 : i32
      %mul3A_135 = arith.muli %scan3A_125, %mul3A_134 : i32
      %swap3A_136 = arith.index_cast %mul3A_135 : i32 to index
      %swap3A_137 = tpu.vector_load %arg22[%swap3A_136] {strides = array<i32>} : memref<12304xi32, #tpu.memory_space<vmem>>, vector<16xi32>,
      tpu.vector_store %arg22[%swap3A_136], %broadcast_in_dim3A_133 {strides = array<i32>} : memref<12304xi32, #tpu.memory_space<vmem>>, vector<16xi32>,
      %scan3A_138 = arith.constant 2 : i32
      %scan3A_139 = arith.addi %scan3A_111, %scan3A_138 : i32
      %broadcast_in_dim3A_140 = arith.constant -1 : i32
      %broadcast_in_dim3A_141 = vector.broadcast %broadcast_in_dim3A_140 : i32 to vector<16xi32>
      %mul3A_142 = arith.constant 16 : i32
      %mul3A_143 = arith.muli %scan3A_139, %mul3A_142 : i32
      %swap3A_144 = arith.index_cast %mul3A_143 : i32 to index
      %swap3A_145 = tpu.vector_load %arg16[%swap3A_144] {strides = array<i32>} : memref<12288xi32, #tpu.memory_space<vmem>>, vector<16xi32>,
      tpu.vector_store %arg16[%swap3A_144], %broadcast_in_dim3A_141 {strides = array<i32>} : memref<12288xi32, #tpu.memory_space<vmem>>, vector<16xi32>,
      %broadcast_in_dim3A_146 = arith.constant 0 : i32
      %broadcast_in_dim3A_147 = vector.broadcast %broadcast_in_dim3A_146 : i32 to vector<16xi32>
      %mul3A_148 = arith.constant 16 : i32
      %mul3A_149 = arith.muli %scan3A_139, %mul3A_148 : i32
      %swap3A_150 = arith.index_cast %mul3A_149 : i32 to index
      %swap3A_151 = tpu.vector_load %arg22[%swap3A_150] {strides = array<i32>} : memref<12304xi32, #tpu.memory_space<vmem>>, vector<16xi32>,
      tpu.vector_store %arg22[%swap3A_150], %broadcast_in_dim3A_147 {strides = array<i32>} : memref<12304xi32, #tpu.memory_space<vmem>>, vector<16xi32>,
      %scan3A_152 = arith.constant 3 : i32
      %scan3A_153 = arith.addi %scan3A_111, %scan3A_152 : i32
      %broadcast_in_dim3A_154 = arith.constant -1 : i32
      %broadcast_in_dim3A_155 = vector.broadcast %broadcast_in_dim3A_154 : i32 to vector<16xi32>
      %mul3A_156 = arith.constant 16 : i32
      %mul3A_157 = arith.muli %scan3A_153, %mul3A_156 : i32
      %swap3A_158 = arith.index_cast %mul3A_157 : i32 to index
      %swap3A_159 = tpu.vector_load %arg16[%swap3A_158] {strides = array<i32>} : memref<12288xi32, #tpu.memory_space<vmem>>, vector<16xi32>,
      tpu.vector_store %arg16[%swap3A_158], %broadcast_in_dim3A_155 {strides = array<i32>} : memref<12288xi32, #tpu.memory_space<vmem>>, vector<16xi32>,
      %broadcast_in_dim3A_160 = arith.constant 0 : i32
      %broadcast_in_dim3A_161 = vector.broadcast %broadcast_in_dim3A_160 : i32 to vector<16xi32>
      %mul3A_162 = arith.constant 16 : i32
      %mul3A_163 = arith.muli %scan3A_153, %mul3A_162 : i32
      %swap3A_164 = arith.index_cast %mul3A_163 : i32 to index
      %swap3A_165 = tpu.vector_load %arg22[%swap3A_164] {strides = array<i32>} : memref<12304xi32, #tpu.memory_space<vmem>>, vector<16xi32>,
      tpu.vector_store %arg22[%swap3A_164], %broadcast_in_dim3A_161 {strides = array<i32>} : memref<12304xi32, #tpu.memory_space<vmem>>, vector<16xi32>,
      %scan3A_166 = arith.constant 4 : i32
      %scan3A_167 = arith.addi %scan3A_111, %scan3A_166 : i32
      %broadcast_in_dim3A_168 = arith.constant -1 : i32
      %broadcast_in_dim3A_169 = vector.broadcast %broadcast_in_dim3A_168 : i32 to vector<16xi32>
      %mul3A_170 = arith.constant 16 : i32
      %mul3A_171 = arith.muli %scan3A_167, %mul3A_170 : i32
      %swap3A_172 = arith.index_cast %mul3A_171 : i32 to index
      %swap3A_173 = tpu.vector_load %arg16[%swap3A_172] {strides = array<i32>} : memref<12288xi32, #tpu.memory_space<vmem>>, vector<16xi32>,
      tpu.vector_store %arg16[%swap3A_172], %broadcast_in_dim3A_169 {strides = array<i32>} : memref<12288xi32, #tpu.memory_space<vmem>>, vector<16xi32>,
      %broadcast_in_dim3A_174 = arith.constant 0 : i32
      %broadcast_in_dim3A_175 = vector.broadcast %broadcast_in_dim3A_174 : i32 to vector<16xi32>
      %mul3A_176 = arith.constant 16 : i32
      %mul3A_177 = arith.muli %scan3A_167, %mul3A_176 : i32
      %swap3A_178 = arith.index_cast %mul3A_177 : i32 to index
      %swap3A_179 = tpu.vector_load %arg22[%swap3A_178] {strides = array<i32>} : memref<12304xi32, #tpu.memory_space<vmem>>, vector<16xi32>,
      tpu.vector_store %arg22[%swap3A_178], %broadcast_in_dim3A_175 {strides = array<i32>} : memref<12304xi32, #tpu.memory_space<vmem>>, vector<16xi32>,
      %scan3A_180 = arith.constant 5 : i32
      %scan3A_181 = arith.addi %scan3A_111, %scan3A_180 : i32
      %broadcast_in_dim3A_182 = arith.constant -1 : i32
      %broadcast_in_dim3A_183 = vector.broadcast %broadcast_in_dim3A_182 : i32 to vector<16xi32>
      %mul3A_184 = arith.constant 16 : i32
      %mul3A_185 = arith.muli %scan3A_181, %mul3A_184 : i32
      %swap3A_186 = arith.index_cast %mul3A_185 : i32 to index
      %swap3A_187 = tpu.vector_load %arg16[%swap3A_186] {strides = array<i32>} : memref<12288xi32, #tpu.memory_space<vmem>>, vector<16xi32>,
      tpu.vector_store %arg16[%swap3A_186], %broadcast_in_dim3A_183 {strides = array<i32>} : memref<12288xi32, #tpu.memory_space<vmem>>, vector<16xi32>,
      %broadcast_in_dim3A_188 = arith.constant 0 : i32
      %broadcast_in_dim3A_189 = vector.broadcast %broadcast_in_dim3A_188 : i32 to vector<16xi32>
      %mul3A_190 = arith.constant 16 : i32
      %mul3A_191 = arith.muli %scan3A_181, %mul3A_190 : i32
      %swap3A_192 = arith.index_cast %mul3A_191 : i32 to index
      %swap3A_193 = tpu.vector_load %arg22[%swap3A_192] {strides = array<i32>} : memref<12304xi32, #tpu.memory_space<vmem>>, vector<16xi32>,
      tpu.vector_store %arg22[%swap3A_192], %broadcast_in_dim3A_189 {strides = array<i32>} : memref<12304xi32, #tpu.memory_space<vmem>>, vector<16xi32>,
      %scan3A_194 = arith.constant 6 : i32
      %scan3A_195 = arith.addi %scan3A_111, %scan3A_194 : i32
      %broadcast_in_dim3A_196 = arith.constant -1 : i32
      %broadcast_in_dim3A_197 = vector.broadcast %broadcast_in_dim3A_196 : i32 to vector<16xi32>
      %mul3A_198 = arith.constant 16 : i32
      %mul3A_199 = arith.muli %scan3A_195, %mul3A_198 : i32
      %swap3A_200 = arith.index_cast %mul3A_199 : i32 to index
      %swap3A_201 = tpu.vector_load %arg16[%swap3A_200] {strides = array<i32>} : memref<12288xi32, #tpu.memory_space<vmem>>, vector<16xi32>,
      tpu.vector_store %arg16[%swap3A_200], %broadcast_in_dim3A_197 {strides = array<i32>} : memref<12288xi32, #tpu.memory_space<vmem>>, vector<16xi32>,
      %broadcast_in_dim3A_202 = arith.constant 0 : i32
      %broadcast_in_dim3A_203 = vector.broadcast %broadcast_in_dim3A_202 : i32 to vector<16xi32>
      %mul3A_204 = arith.constant 16 : i32
      %mul3A_205 = arith.muli %scan3A_195, %mul3A_204 : i32
      %swap3A_206 = arith.index_cast %mul3A_205 : i32 to index
      %swap3A_207 = tpu.vector_load %arg22[%swap3A_206] {strides = array<i32>} : memref<12304xi32, #tpu.memory_space<vmem>>, vector<16xi32>,
      tpu.vector_store %arg22[%swap3A_206], %broadcast_in_dim3A_203 {strides = array<i32>} : memref<12304xi32, #tpu.memory_space<vmem>>, vector<16xi32>,
      %scan3A_208 = arith.constant 7 : i32
      %scan3A_209 = arith.addi %scan3A_111, %scan3A_208 : i32
      %broadcast_in_dim3A_210 = arith.constant -1 : i32
      %broadcast_in_dim3A_211 = vector.broadcast %broadcast_in_dim3A_210 : i32 to vector<16xi32>
      %mul3A_212 = arith.constant 16 : i32
      %mul3A_213 = arith.muli %scan3A_209, %mul3A_212 : i32
      %swap3A_214 = arith.index_cast %mul3A_213 : i32 to index
      %swap3A_215 = tpu.vector_load %arg16[%swap3A_214] {strides = array<i32>} : memref<12288xi32, #tpu.memory_space<vmem>>, vector<16xi32>,
      tpu.vector_store %arg16[%swap3A_214], %broadcast_in_dim3A_211 {strides = array<i32>} : memref<12288xi32, #tpu.memory_space<vmem>>, vector<16xi32>,
      %broadcast_in_dim3A_216 = arith.constant 0 : i32
      %broadcast_in_dim3A_217 = vector.broadcast %broadcast_in_dim3A_216 : i32 to vector<16xi32>
      %mul3A_218 = arith.constant 16 : i32
      %mul3A_219 = arith.muli %scan3A_209, %mul3A_218 : i32
      %swap3A_220 = arith.index_cast %mul3A_219 : i32 to index
      %swap3A_221 = tpu.vector_load %arg22[%swap3A_220] {strides = array<i32>} : memref<12304xi32, #tpu.memory_space<vmem>>, vector<16xi32>,
      tpu.vector_store %arg22[%swap3A_220], %broadcast_in_dim3A_217 {strides = array<i32>} : memref<12304xi32, #tpu.memory_space<vmem>>, vector<16xi32>,
    }
    %scan3A_12 = arith.constant 768 : i32
    %broadcast_in_dim3A = arith.constant 0 : i32
    %broadcast_in_dim3A_13 = vector.broadcast %broadcast_in_dim3A : i32 to vector<16xi32>
    %swap3A = arith.constant 12288 : index
    %swap3A_14 = tpu.vector_load %arg22[%swap3A] {strides = array<i32>} : memref<12304xi32, #tpu.memory_space<vmem>>, vector<16xi32>,
    tpu.vector_store %arg22[%swap3A], %broadcast_in_dim3A_13 {strides = array<i32>} : memref<12304xi32, #tpu.memory_space<vmem>>, vector<16xi32>,
    %add3A_15 = arith.constant 1 : i32
    %add3A_16 = vector.broadcast %add3A_15 : i32 to vector<16xi32>
    %add3A_17 = arith.addi %iota3A, %add3A_16 : vector<16xi32>
    %min3A = arith.constant 15 : i32
    %min3A_18 = vector.broadcast %min3A : i32 to vector<16xi32>
    %min3A_19 = arith.minsi %add3A_17, %min3A_18 : vector<16xi32>
    %broadcast_in_dim3A_20 = vector.shape_cast %min3A_19 : vector<16xi32> to vector<16x1xi32>
    %eq3A = arith.constant 15 : i32
    %eq3A_21 = vector.broadcast %eq3A : i32 to vector<16xi32>
    %eq3A_22 = arith.cmpi eq, %iota3A, %eq3A_21 : vector<16xi32>
    %dma_start3A_23 = arith.constant 0 : i32
    %dma_start3A_24 = arith.constant 0 : i32
    %dma_start3A_25 = tpu.memref_slice %arg17[%dma_start3A_24] : memref<4096xi32, #tpu.memory_space<vmem>> -> memref<2048xi32, #tpu.memory_space<vmem>>
    %dma_start3A_26 = arith.constant 0 : i32
    %dma_start3A_27 = tpu.memref_slice %arg2[%dma_start3A_26] : memref<65536xi32, #tpu.memory_space<hbm>> -> memref<2048xi32, #tpu.memory_space<hbm>>
    %dma_start3A_28 = tpu.memref_slice %arg26[%dma_start3A_23] : memref<2x!tpu.dma_semaphore, #tpu.memory_space<semaphore_mem>> -> memref<1x!tpu.dma_semaphore, #tpu.memory_space<semaphore_mem>>
    %dma_start3A_29 = tpu.memref_squeeze %dma_start3A_28 : memref<1x!tpu.dma_semaphore, #tpu.memory_space<semaphore_mem>> -> memref<!tpu.dma_semaphore, #tpu.memory_space<semaphore_mem>>
    %dma_start3A_30 = arith.constant 0 : i32
    %dma_start3A_31 = tpu.memref_slice %arg17[%dma_start3A_30] : memref<4096xi32, #tpu.memory_space<vmem>> -> memref<2048xi32, #tpu.memory_space<vmem>>
    %dma_start3A_32 = arith.constant 0 : i32
    %dma_start3A_33 = tpu.memref_slice %arg2[%dma_start3A_32] : memref<65536xi32, #tpu.memory_space<hbm>> -> memref<2048xi32, #tpu.memory_space<hbm>>
    tpu.enqueue_dma source(%dma_start3A_33 : memref<2048xi32, #tpu.memory_space<hbm>>) target(%dma_start3A_31 : memref<2048xi32, #tpu.memory_space<vmem>>) target_semaphore(%dma_start3A_29 : memref<!tpu.dma_semaphore, #tpu.memory_space<semaphore_mem>>)
    %dma_start3A_34 = arith.constant 0 : i32
    %dma_start3A_35 = arith.constant 0 : i32
    %dma_start3A_36 = tpu.memref_slice %arg18[%dma_start3A_35] : memref<4096xi32, #tpu.memory_space<vmem>> -> memref<2048xi32, #tpu.memory_space<vmem>>
    %dma_start3A_37 = arith.constant 0 : i32
    %dma_start3A_38 = tpu.memref_slice %arg3[%dma_start3A_37] : memref<65536xi32, #tpu.memory_space<hbm>> -> memref<2048xi32, #tpu.memory_space<hbm>>
    %dma_start3A_39 = tpu.memref_slice %arg26[%dma_start3A_34] : memref<2x!tpu.dma_semaphore, #tpu.memory_space<semaphore_mem>> -> memref<1x!tpu.dma_semaphore, #tpu.memory_space<semaphore_mem>>
    %dma_start3A_40 = tpu.memref_squeeze %dma_start3A_39 : memref<1x!tpu.dma_semaphore, #tpu.memory_space<semaphore_mem>> -> memref<!tpu.dma_semaphore, #tpu.memory_space<semaphore_mem>>
    %dma_start3A_41 = arith.constant 0 : i32
    %dma_start3A_42 = tpu.memref_slice %arg18[%dma_start3A_41] : memref<4096xi32, #tpu.memory_space<vmem>> -> memref<2048xi32, #tpu.memory_space<vmem>>
    %dma_start3A_43 = arith.constant 0 : i32
    %dma_start3A_44 = tpu.memref_slice %arg3[%dma_start3A_43] : memref<65536xi32, #tpu.memory_space<hbm>> -> memref<2048xi32, #tpu.memory_space<hbm>>
    tpu.enqueue_dma source(%dma_start3A_44 : memref<2048xi32, #tpu.memory_space<hbm>>) target(%dma_start3A_42 : memref<2048xi32, #tpu.memory_space<vmem>>) target_semaphore(%dma_start3A_40 : memref<!tpu.dma_semaphore, #tpu.memory_space<semaphore_mem>>)
    %dma_start3A_45 = arith.constant 0 : i32
    %dma_start3A_46 = arith.constant 0 : i32
    %dma_start3A_47 = tpu.memref_slice %arg19[%dma_start3A_46] : memref<4096xi32, #tpu.memory_space<vmem>> -> memref<2048xi32, #tpu.memory_space<vmem>>
    %dma_start3A_48 = arith.constant 0 : i32
    %dma_start3A_49 = tpu.memref_slice %arg4[%dma_start3A_48] : memref<65536xi32, #tpu.memory_space<hbm>> -> memref<2048xi32, #tpu.memory_space<hbm>>
    %dma_start3A_50 = tpu.memref_slice %arg26[%dma_start3A_45] : memref<2x!tpu.dma_semaphore, #tpu.memory_space<semaphore_mem>> -> memref<1x!tpu.dma_semaphore, #tpu.memory_space<semaphore_mem>>
    %dma_start3A_51 = tpu.memref_squeeze %dma_start3A_50 : memref<1x!tpu.dma_semaphore, #tpu.memory_space<semaphore_mem>> -> memref<!tpu.dma_semaphore, #tpu.memory_space<semaphore_mem>>
    %dma_start3A_52 = arith.constant 0 : i32
    %dma_start3A_53 = tpu.memref_slice %arg19[%dma_start3A_52] : memref<4096xi32, #tpu.memory_space<vmem>> -> memref<2048xi32, #tpu.memory_space<vmem>>
    %dma_start3A_54 = arith.constant 0 : i32
    %dma_start3A_55 = tpu.memref_slice %arg4[%dma_start3A_54] : memref<65536xi32, #tpu.memory_space<hbm>> -> memref<2048xi32, #tpu.memory_space<hbm>>
    tpu.enqueue_dma source(%dma_start3A_55 : memref<2048xi32, #tpu.memory_space<hbm>>) target(%dma_start3A_53 : memref<2048xi32, #tpu.memory_space<vmem>>) target_semaphore(%dma_start3A_51 : memref<!tpu.dma_semaphore, #tpu.memory_space<semaphore_mem>>)
    %dma_start3A_56 = arith.constant 0 : i32
    %dma_start3A_57 = arith.constant 0 : i32
    %dma_start3A_58 = tpu.memref_slice %arg20[%dma_start3A_57] : memref<4096xi32, #tpu.memory_space<vmem>> -> memref<2048xi32, #tpu.memory_space<vmem>>
    %dma_start3A_59 = arith.constant 0 : i32
    %dma_start3A_60 = tpu.memref_slice %arg5[%dma_start3A_59] : memref<65536xi32, #tpu.memory_space<hbm>> -> memref<2048xi32, #tpu.memory_space<hbm>>
    %dma_start3A_61 = tpu.memref_slice %arg26[%dma_start3A_56] : memref<2x!tpu.dma_semaphore, #tpu.memory_space<semaphore_mem>> -> memref<1x!tpu.dma_semaphore, #tpu.memory_space<semaphore_mem>>
    %dma_start3A_62 = tpu.memref_squeeze %dma_start3A_61 : memref<1x!tpu.dma_semaphore, #tpu.memory_space<semaphore_mem>> -> memref<!tpu.dma_semaphore, #tpu.memory_space<semaphore_mem>>
    %dma_start3A_63 = arith.constant 0 : i32
    %dma_start3A_64 = tpu.memref_slice %arg20[%dma_start3A_63] : memref<4096xi32, #tpu.memory_space<vmem>> -> memref<2048xi32, #tpu.memory_space<vmem>>
    %dma_start3A_65 = arith.constant 0 : i32
    %dma_start3A_66 = tpu.memref_slice %arg5[%dma_start3A_65] : memref<65536xi32, #tpu.memory_space<hbm>> -> memref<2048xi32, #tpu.memory_space<hbm>>
    tpu.enqueue_dma source(%dma_start3A_66 : memref<2048xi32, #tpu.memory_space<hbm>>) target(%dma_start3A_64 : memref<2048xi32, #tpu.memory_space<vmem>>) target_semaphore(%dma_start3A_62 : memref<!tpu.dma_semaphore, #tpu.memory_space<semaphore_mem>>)
    %scan3A_67 = arith.constant 0 : i32
    %scan3A_68 = arith.constant 0 : i32
    %scan3A_69 = arith.constant 32 : i32
    %scan3A_70 = arith.addi %scan3A_68, %scan3A_69 : i32
    %scan3A_71 = arith.constant 1 : i32
    scf.for %scan3A_111 = %scan3A_68 to %scan3A_70 step %scan3A_71  : i32 {
      %and3A = arith.constant 1 : i32
      %and3A_112 = arith.andi %scan3A_111, %and3A : i32
      %and3A_113 = arith.constant 1 : i32
      %and3A_114 = arith.andi %scan3A_111, %and3A_113 : i32
      %mul3A_115 = arith.constant 2048 : i32
      %mul3A_116 = arith.muli %scan3A_111, %mul3A_115 : i32
      %mul3A_117 = arith.constant 2048 : i32
      %mul3A_118 = arith.muli %and3A_114, %mul3A_117 : i32
      %dma_wait3A_119 = tpu.memref_slice %arg17[%mul3A_118] : memref<4096xi32, #tpu.memory_space<vmem>> -> memref<2048xi32, #tpu.memory_space<vmem>>
      %dma_wait3A_120 = tpu.memref_slice %arg2[%mul3A_116] : memref<65536xi32, #tpu.memory_space<hbm>> -> memref<2048xi32, #tpu.memory_space<hbm>>
      %dma_wait3A_121 = tpu.memref_slice %arg26[%and3A_114] : memref<2x!tpu.dma_semaphore, #tpu.memory_space<semaphore_mem>> -> memref<1x!tpu.dma_semaphore, #tpu.memory_space<semaphore_mem>>
      %dma_wait3A_122 = tpu.memref_squeeze %dma_wait3A_121 : memref<1x!tpu.dma_semaphore, #tpu.memory_space<semaphore_mem>> -> memref<!tpu.dma_semaphore, #tpu.memory_space<semaphore_mem>>
      %dma_wait3A_123 = tpu.memref_slice %arg17[%mul3A_118] : memref<4096xi32, #tpu.memory_space<vmem>> -> memref<2048xi32, #tpu.memory_space<vmem>>
      %dma_wait3A_124 = tpu.memref_slice %arg2[%mul3A_116] : memref<65536xi32, #tpu.memory_space<hbm>> -> memref<2048xi32, #tpu.memory_space<hbm>>
      tpu.wait_dma2 semaphore(%dma_wait3A_122 : memref<!tpu.dma_semaphore, #tpu.memory_space<semaphore_mem>>) src(%dma_wait3A_124 : memref<2048xi32, #tpu.memory_space<hbm>>) dst(%dma_wait3A_123 : memref<2048xi32, #tpu.memory_space<vmem>>)
      %mul3A_125 = arith.constant 2048 : i32
      %mul3A_126 = arith.muli %and3A_114, %mul3A_125 : i32
      %dma_wait3A_127 = tpu.memref_slice %arg18[%mul3A_126] : memref<4096xi32, #tpu.memory_space<vmem>> -> memref<2048xi32, #tpu.memory_space<vmem>>
      %dma_wait3A_128 = tpu.memref_slice %arg3[%mul3A_116] : memref<65536xi32, #tpu.memory_space<hbm>> -> memref<2048xi32, #tpu.memory_space<hbm>>
      %dma_wait3A_129 = tpu.memref_slice %arg26[%and3A_114] : memref<2x!tpu.dma_semaphore, #tpu.memory_space<semaphore_mem>> -> memref<1x!tpu.dma_semaphore, #tpu.memory_space<semaphore_mem>>
      %dma_wait3A_130 = tpu.memref_squeeze %dma_wait3A_129 : memref<1x!tpu.dma_semaphore, #tpu.memory_space<semaphore_mem>> -> memref<!tpu.dma_semaphore, #tpu.memory_space<semaphore_mem>>
      %dma_wait3A_131 = tpu.memref_slice %arg18[%mul3A_126] : memref<4096xi32, #tpu.memory_space<vmem>> -> memref<2048xi32, #tpu.memory_space<vmem>>
      %dma_wait3A_132 = tpu.memref_slice %arg3[%mul3A_116] : memref<65536xi32, #tpu.memory_space<hbm>> -> memref<2048xi32, #tpu.memory_space<hbm>>
      tpu.wait_dma2 semaphore(%dma_wait3A_130 : memref<!tpu.dma_semaphore, #tpu.memory_space<semaphore_mem>>) src(%dma_wait3A_132 : memref<2048xi32, #tpu.memory_space<hbm>>) dst(%dma_wait3A_131 : memref<2048xi32, #tpu.memory_space<vmem>>)
      %mul3A_133 = arith.constant 2048 : i32
      %mul3A_134 = arith.muli %and3A_114, %mul3A_133 : i32
      %dma_wait3A_135 = tpu.memref_slice %arg19[%mul3A_134] : memref<4096xi32, #tpu.memory_space<vmem>> -> memref<2048xi32, #tpu.memory_space<vmem>>
      %dma_wait3A_136 = tpu.memref_slice %arg4[%mul3A_116] : memref<65536xi32, #tpu.memory_space<hbm>> -> memref<2048xi32, #tpu.memory_space<hbm>>
      %dma_wait3A_137 = tpu.memref_slice %arg26[%and3A_114] : memref<2x!tpu.dma_semaphore, #tpu.memory_space<semaphore_mem>> -> memref<1x!tpu.dma_semaphore, #tpu.memory_space<semaphore_mem>>
      %dma_wait3A_138 = tpu.memref_squeeze %dma_wait3A_137 : memref<1x!tpu.dma_semaphore, #tpu.memory_space<semaphore_mem>> -> memref<!tpu.dma_semaphore, #tpu.memory_space<semaphore_mem>>
      %dma_wait3A_139 = tpu.memref_slice %arg19[%mul3A_134] : memref<4096xi32, #tpu.memory_space<vmem>> -> memref<2048xi32, #tpu.memory_space<vmem>>
      %dma_wait3A_140 = tpu.memref_slice %arg4[%mul3A_116] : memref<65536xi32, #tpu.memory_space<hbm>> -> memref<2048xi32, #tpu.memory_space<hbm>>
      tpu.wait_dma2 semaphore(%dma_wait3A_138 : memref<!tpu.dma_semaphore, #tpu.memory_space<semaphore_mem>>) src(%dma_wait3A_140 : memref<2048xi32, #tpu.memory_space<hbm>>) dst(%dma_wait3A_139 : memref<2048xi32, #tpu.memory_space<vmem>>)
      %mul3A_141 = arith.constant 2048 : i32
      %mul3A_142 = arith.muli %and3A_114, %mul3A_141 : i32
      %dma_wait3A_143 = tpu.memref_slice %arg20[%mul3A_142] : memref<4096xi32, #tpu.memory_space<vmem>> -> memref<2048xi32, #tpu.memory_space<vmem>>
      %dma_wait3A_144 = tpu.memref_slice %arg5[%mul3A_116] : memref<65536xi32, #tpu.memory_space<hbm>> -> memref<2048xi32, #tpu.memory_space<hbm>>
      %dma_wait3A_145 = tpu.memref_slice %arg26[%and3A_114] : memref<2x!tpu.dma_semaphore, #tpu.memory_space<semaphore_mem>> -> memref<1x!tpu.dma_semaphore, #tpu.memory_space<semaphore_mem>>
      %dma_wait3A_146 = tpu.memref_squeeze %dma_wait3A_145 : memref<1x!tpu.dma_semaphore, #tpu.memory_space<semaphore_mem>> -> memref<!tpu.dma_semaphore, #tpu.memory_space<semaphore_mem>>
      %dma_wait3A_147 = tpu.memref_slice %arg20[%mul3A_142] : memref<4096xi32, #tpu.memory_space<vmem>> -> memref<2048xi32, #tpu.memory_space<vmem>>
      %dma_wait3A_148 = tpu.memref_slice %arg5[%mul3A_116] : memref<65536xi32, #tpu.memory_space<hbm>> -> memref<2048xi32, #tpu.memory_space<hbm>>
      tpu.wait_dma2 semaphore(%dma_wait3A_146 : memref<!tpu.dma_semaphore, #tpu.memory_space<semaphore_mem>>) src(%dma_wait3A_148 : memref<2048xi32, #tpu.memory_space<hbm>>) dst(%dma_wait3A_147 : memref<2048xi32, #tpu.memory_space<vmem>>)
      %add3A_149 = arith.constant 1 : i32
      %add3A_150 = arith.addi %scan3A_111, %add3A_149 : i32
      %lt3A = arith.constant 32 : i32
      %lt3A_151 = arith.cmpi slt, %add3A_150, %lt3A : i32
      %convert_element_type3A = arith.extui %lt3A_151 : i1 to i32
      %cond3A = arith.constant 0 : i32
      %cond3A_152 = arith.cmpi ne, %convert_element_type3A, %cond3A : i32
      scf.if %cond3A_152 {
        %add3A_160 = arith.constant 1 : i32
        %add3A_161 = arith.addi %scan3A_111, %add3A_160 : i32
        %and3A_162 = arith.constant 1 : i32
        %and3A_163 = arith.andi %add3A_161, %and3A_162 : i32
        %mul3A_164 = arith.constant 2048 : i32
        %mul3A_165 = arith.muli %add3A_161, %mul3A_164 : i32
        %mul3A_166 = arith.constant 2048 : i32
        %mul3A_167 = arith.muli %and3A_163, %mul3A_166 : i32
        %dma_start3A_168 = tpu.memref_slice %arg17[%mul3A_167] : memref<4096xi32, #tpu.memory_space<vmem>> -> memref<2048xi32, #tpu.memory_space<vmem>>
        %dma_start3A_169 = tpu.memref_slice %arg2[%mul3A_165] : memref<65536xi32, #tpu.memory_space<hbm>> -> memref<2048xi32, #tpu.memory_space<hbm>>
        %dma_start3A_170 = tpu.memref_slice %arg26[%and3A_163] : memref<2x!tpu.dma_semaphore, #tpu.memory_space<semaphore_mem>> -> memref<1x!tpu.dma_semaphore, #tpu.memory_space<semaphore_mem>>
        %dma_start3A_171 = tpu.memref_squeeze %dma_start3A_170 : memref<1x!tpu.dma_semaphore, #tpu.memory_space<semaphore_mem>> -> memref<!tpu.dma_semaphore, #tpu.memory_space<semaphore_mem>>
        %dma_start3A_172 = tpu.memref_slice %arg17[%mul3A_167] : memref<4096xi32, #tpu.memory_space<vmem>> -> memref<2048xi32, #tpu.memory_space<vmem>>
        %dma_start3A_173 = tpu.memref_slice %arg2[%mul3A_165] : memref<65536xi32, #tpu.memory_space<hbm>> -> memref<2048xi32, #tpu.memory_space<hbm>>
        tpu.enqueue_dma source(%dma_start3A_173 : memref<2048xi32, #tpu.memory_space<hbm>>) target(%dma_start3A_172 : memref<2048xi32, #tpu.memory_space<vmem>>) target_semaphore(%dma_start3A_171 : memref<!tpu.dma_semaphore, #tpu.memory_space<semaphore_mem>>)
        %mul3A_174 = arith.constant 2048 : i32
        %mul3A_175 = arith.muli %and3A_163, %mul3A_174 : i32
        %dma_start3A_176 = tpu.memref_slice %arg18[%mul3A_175] : memref<4096xi32, #tpu.memory_space<vmem>> -> memref<2048xi32, #tpu.memory_space<vmem>>
        %dma_start3A_177 = tpu.memref_slice %arg3[%mul3A_165] : memref<65536xi32, #tpu.memory_space<hbm>> -> memref<2048xi32, #tpu.memory_space<hbm>>
        %dma_start3A_178 = tpu.memref_slice %arg26[%and3A_163] : memref<2x!tpu.dma_semaphore, #tpu.memory_space<semaphore_mem>> -> memref<1x!tpu.dma_semaphore, #tpu.memory_space<semaphore_mem>>
        %dma_start3A_179 = tpu.memref_squeeze %dma_start3A_178 : memref<1x!tpu.dma_semaphore, #tpu.memory_space<semaphore_mem>> -> memref<!tpu.dma_semaphore, #tpu.memory_space<semaphore_mem>>
        %dma_start3A_180 = tpu.memref_slice %arg18[%mul3A_175] : memref<4096xi32, #tpu.memory_space<vmem>> -> memref<2048xi32, #tpu.memory_space<vmem>>
        %dma_start3A_181 = tpu.memref_slice %arg3[%mul3A_165] : memref<65536xi32, #tpu.memory_space<hbm>> -> memref<2048xi32, #tpu.memory_space<hbm>>
        tpu.enqueue_dma source(%dma_start3A_181 : memref<2048xi32, #tpu.memory_space<hbm>>) target(%dma_start3A_180 : memref<2048xi32, #tpu.memory_space<vmem>>) target_semaphore(%dma_start3A_179 : memref<!tpu.dma_semaphore, #tpu.memory_space<semaphore_mem>>)
        %mul3A_182 = arith.constant 2048 : i32
        %mul3A_183 = arith.muli %and3A_163, %mul3A_182 : i32
        %dma_start3A_184 = tpu.memref_slice %arg19[%mul3A_183] : memref<4096xi32, #tpu.memory_space<vmem>> -> memref<2048xi32, #tpu.memory_space<vmem>>
        %dma_start3A_185 = tpu.memref_slice %arg4[%mul3A_165] : memref<65536xi32, #tpu.memory_space<hbm>> -> memref<2048xi32, #tpu.memory_space<hbm>>
        %dma_start3A_186 = tpu.memref_slice %arg26[%and3A_163] : memref<2x!tpu.dma_semaphore, #tpu.memory_space<semaphore_mem>> -> memref<1x!tpu.dma_semaphore, #tpu.memory_space<semaphore_mem>>
        %dma_start3A_187 = tpu.memref_squeeze %dma_start3A_186 : memref<1x!tpu.dma_semaphore, #tpu.memory_space<semaphore_mem>> -> memref<!tpu.dma_semaphore, #tpu.memory_space<semaphore_mem>>
        %dma_start3A_188 = tpu.memref_slice %arg19[%mul3A_183] : memref<4096xi32, #tpu.memory_space<vmem>> -> memref<2048xi32, #tpu.memory_space<vmem>>
        %dma_start3A_189 = tpu.memref_slice %arg4[%mul3A_165] : memref<65536xi32, #tpu.memory_space<hbm>> -> memref<2048xi32, #tpu.memory_space<hbm>>
        tpu.enqueue_dma source(%dma_start3A_189 : memref<2048xi32, #tpu.memory_space<hbm>>) target(%dma_start3A_188 : memref<2048xi32, #tpu.memory_space<vmem>>) target_semaphore(%dma_start3A_187 : memref<!tpu.dma_semaphore, #tpu.memory_space<semaphore_mem>>)
        %mul3A_190 = arith.constant 2048 : i32
        %mul3A_191 = arith.muli %and3A_163, %mul3A_190 : i32
        %dma_start3A_192 = tpu.memref_slice %arg20[%mul3A_191] : memref<4096xi32, #tpu.memory_space<vmem>> -> memref<2048xi32, #tpu.memory_space<vmem>>
        %dma_start3A_193 = tpu.memref_slice %arg5[%mul3A_165] : memref<65536xi32, #tpu.memory_space<hbm>> -> memref<2048xi32, #tpu.memory_space<hbm>>
        %dma_start3A_194 = tpu.memref_slice %arg26[%and3A_163] : memref<2x!tpu.dma_semaphore, #tpu.memory_space<semaphore_mem>> -> memref<1x!tpu.dma_semaphore, #tpu.memory_space<semaphore_mem>>
        %dma_start3A_195 = tpu.memref_squeeze %dma_start3A_194 : memref<1x!tpu.dma_semaphore, #tpu.memory_space<semaphore_mem>> -> memref<!tpu.dma_semaphore, #tpu.memory_space<semaphore_mem>>
        %dma_start3A_196 = tpu.memref_slice %arg20[%mul3A_191] : memref<4096xi32, #tpu.memory_space<vmem>> -> memref<2048xi32, #tpu.memory_space<vmem>>
        %dma_start3A_197 = tpu.memref_slice %arg5[%mul3A_165] : memref<65536xi32, #tpu.memory_space<hbm>> -> memref<2048xi32, #tpu.memory_space<hbm>>
        tpu.enqueue_dma source(%dma_start3A_197 : memref<2048xi32, #tpu.memory_space<hbm>>) target(%dma_start3A_196 : memref<2048xi32, #tpu.memory_space<vmem>>) target_semaphore(%dma_start3A_195 : memref<!tpu.dma_semaphore, #tpu.memory_space<semaphore_mem>>)
      } else {
      }
      %parallel_loop3A = arith.constant 0 : i32
      %parallel_loop3A_153 = arith.constant 128 : i32
      %parallel_loop3A_154 = arith.constant 1 : i32
      scf.for %parallel_loop3A_160 = %parallel_loop3A to %parallel_loop3A_153 step %parallel_loop3A_154  : i32 {
        %parallel_loop3A_161 = arith.constant 16 : i32
        %parallel_loop3A_162 = arith.muli %parallel_loop3A_160, %parallel_loop3A_161 : i32
        %parallel_loop3A_163 = arith.constant 2048 : i32
        %parallel_loop3A_164 = arith.muli %and3A_112, %parallel_loop3A_163 : i32
        %parallel_loop3A_165 = arith.addi %parallel_loop3A_164, %parallel_loop3A_162 : i32
        %parallel_loop3A_166 = arith.index_cast %parallel_loop3A_165 : i32 to index
        %parallel_loop3A_167 = tpu.vector_load %arg17[%parallel_loop3A_166] {strides = array<i32>} : memref<4096xi32, #tpu.memory_space<vmem>>, vector<16xi32>,
        %parallel_loop3A_168 = arith.constant 2048 : i32
        %parallel_loop3A_169 = arith.muli %and3A_112, %parallel_loop3A_168 : i32
        %parallel_loop3A_170 = arith.addi %parallel_loop3A_169, %parallel_loop3A_162 : i32
        %parallel_loop3A_171 = arith.index_cast %parallel_loop3A_170 : i32 to index
        %parallel_loop3A_172 = tpu.vector_load %arg18[%parallel_loop3A_171] {strides = array<i32>} : memref<4096xi32, #tpu.memory_space<vmem>>, vector<16xi32>,
        %parallel_loop3A_173 = arith.constant 2048 : i32
        %parallel_loop3A_174 = arith.muli %and3A_112, %parallel_loop3A_173 : i32
        %parallel_loop3A_175 = arith.addi %parallel_loop3A_174, %parallel_loop3A_162 : i32
        %parallel_loop3A_176 = arith.index_cast %parallel_loop3A_175 : i32 to index
        %parallel_loop3A_177 = tpu.vector_load %arg19[%parallel_loop3A_176] {strides = array<i32>} : memref<4096xi32, #tpu.memory_space<vmem>>, vector<16xi32>,
        %parallel_loop3A_178 = arith.constant 2048 : i32
        %parallel_loop3A_179 = arith.muli %and3A_112, %parallel_loop3A_178 : i32
        %parallel_loop3A_180 = arith.addi %parallel_loop3A_179, %parallel_loop3A_162 : i32
        %parallel_loop3A_181 = arith.index_cast %parallel_loop3A_180 : i32 to index
        %parallel_loop3A_182 = tpu.vector_load %arg20[%parallel_loop3A_181] {strides = array<i32>} : memref<4096xi32, #tpu.memory_space<vmem>>, vector<16xi32>,
        %parallel_loop3A_183 = arith.constant 65536 : i32
        %parallel_loop3A_184 = vector.broadcast %parallel_loop3A_183 : i32 to vector<16xi32>
        %parallel_loop3A_185 = arith.muli %parallel_loop3A_167, %parallel_loop3A_184 : vector<16xi32>
        %parallel_loop3A_186 = arith.constant 256 : i32
        %parallel_loop3A_187 = vector.broadcast %parallel_loop3A_186 : i32 to vector<16xi32>
        %parallel_loop3A_188 = arith.muli %parallel_loop3A_177, %parallel_loop3A_187 : vector<16xi32>
        %parallel_loop3A_189 = arith.addi %parallel_loop3A_185, %parallel_loop3A_188 : vector<16xi32>
        %parallel_loop3A_190 = arith.addi %parallel_loop3A_189, %parallel_loop3A_182 : vector<16xi32>
        %parallel_loop3A_191 = arith.constant 4096 : i32
        %parallel_loop3A_192 = vector.broadcast %parallel_loop3A_191 : i32 to vector<16xi32>
        %parallel_loop3A_193 = arith.muli %parallel_loop3A_167, %parallel_loop3A_192 : vector<16xi32>
        %parallel_loop3A_194 = arith.addi %parallel_loop3A_193, %parallel_loop3A_172 : vector<16xi32>
        %parallel_loop3A_195 = vector.broadcast %mul3A_2 : i32 to vector<16xi32>
        %parallel_loop3A_196 = arith.cmpi sge, %parallel_loop3A_190, %parallel_loop3A_195 : vector<16xi32>
        %parallel_loop3A_197 = arith.constant 12288 : i32
        %parallel_loop3A_198 = arith.addi %mul3A_2, %parallel_loop3A_197 : i32
        %parallel_loop3A_199 = vector.broadcast %parallel_loop3A_198 : i32 to vector<16xi32>
        %parallel_loop3A_200 = arith.cmpi slt, %parallel_loop3A_190, %parallel_loop3A_199 : vector<16xi32>
        %parallel_loop3A_201 = arith.andi %parallel_loop3A_196, %parallel_loop3A_200 : vector<16xi1>
        %parallel_loop3A_202 = arith.constant 16 : i32
        %parallel_loop3A_203 = vector.broadcast %parallel_loop3A_202 : i32 to vector<16xi32>
        %parallel_loop3A_204 = arith.muli %parallel_loop3A_190, %parallel_loop3A_203 : vector<16xi32>
        %parallel_loop3A_205 = arith.addi %parallel_loop3A_204, %iota3A : vector<16xi32>
        %parallel_loop3A_206 = arith.constant 2147483647 : i32
        %parallel_loop3A_207 = vector.broadcast %parallel_loop3A_206 : i32 to vector<16xi32>
        %parallel_loop3A_208 = arith.select %parallel_loop3A_201, %parallel_loop3A_205, %parallel_loop3A_207 : vector<16xi1>, vector<16xi32>
        %parallel_loop3A_209 = arith.constant dense<true> : vector<16xi1>
        %parallel_loop3A_210 = arith.constant -2147483648 : i32
        %parallel_loop3A_211 = vector.broadcast %parallel_loop3A_210 : i32 to vector<16xi32>
        %parallel_loop3A_212 = arith.xori %parallel_loop3A_208, %parallel_loop3A_211 : vector<16xi32>
        %parallel_loop3A_213, %parallel_loop3A_214, %parallel_loop3A_215 = tpu.sort %parallel_loop3A_212, %parallel_loop3A_194 masked %parallel_loop3A_209 : (vector<16xi32>, vector<16xi32>, vector<16xi1>) -> (vector<16xi1>, vector<16xi32>, vector<16xi32>)
        %parallel_loop3A_216 = arith.xori %parallel_loop3A_214, %parallel_loop3A_211 : vector<16xi32>
        %parallel_loop3A_217 = vector.shape_cast %broadcast_in_dim3A_20 : vector<16x1xi32> to vector<16xi32>
        %parallel_loop3A_218 = tpu.dynamic_gather %parallel_loop3A_216[%parallel_loop3A_217] in [0] : vector<16xi32>, vector<16xi32> -> vector<16xi32>
        %parallel_loop3A_219 = arith.constant 4 : i32
        %parallel_loop3A_220 = vector.broadcast %parallel_loop3A_219 : i32 to vector<16xi32>
        %parallel_loop3A_221 = arith.shrsi %parallel_loop3A_216, %parallel_loop3A_220 : vector<16xi32>
        %parallel_loop3A_222 = arith.constant 4 : i32
        %parallel_loop3A_223 = vector.broadcast %parallel_loop3A_222 : i32 to vector<16xi32>
        %parallel_loop3A_224 = arith.shrsi %parallel_loop3A_218, %parallel_loop3A_223 : vector<16xi32>
        %parallel_loop3A_225 = arith.cmpi ne, %parallel_loop3A_221, %parallel_loop3A_224 : vector<16xi32>
        %parallel_loop3A_226 = arith.ori %parallel_loop3A_225, %eq3A_22 : vector<16xi1>
        %parallel_loop3A_227 = arith.constant 2147483647 : i32
        %parallel_loop3A_228 = vector.broadcast %parallel_loop3A_227 : i32 to vector<16xi32>
        %parallel_loop3A_229 = arith.cmpi ne, %parallel_loop3A_216, %parallel_loop3A_228 : vector<16xi32>
        %parallel_loop3A_230 = arith.andi %parallel_loop3A_226, %parallel_loop3A_229 : vector<16xi1>
        %parallel_loop3A_231 = vector.broadcast %mul3A_2 : i32 to vector<16xi32>
        %parallel_loop3A_232 = arith.subi %parallel_loop3A_221, %parallel_loop3A_231 : vector<16xi32>
        %parallel_loop3A_233 = arith.constant 15 : i32
        %parallel_loop3A_234 = vector.broadcast %parallel_loop3A_233 : i32 to vector<16xi32>
        %parallel_loop3A_235 = arith.shli %parallel_loop3A_232, %parallel_loop3A_234 : vector<16xi32>
        %parallel_loop3A_236 = arith.ori %parallel_loop3A_235, %parallel_loop3A_215 : vector<16xi32>
        %parallel_loop3A_237 = arith.constant -1 : i32
        %parallel_loop3A_238 = vector.broadcast %parallel_loop3A_237 : i32 to vector<16xi32>
        %parallel_loop3A_239 = arith.select %parallel_loop3A_230, %parallel_loop3A_236, %parallel_loop3A_238 : vector<16xi1>, vector<16xi32>
        %parallel_loop3A_240 = vector.bitcast %parallel_loop3A_239 : vector<16xi32> to vector<16xf32>
        %parallel_loop3A_241 = arith.index_cast %parallel_loop3A_162 : i32 to index
        %parallel_loop3A_242 = tpu.vector_load %arg23[%parallel_loop3A_241] {strides = array<i32>} : memref<12304xf32, #tpu.memory_space<vmem>>, vector<16xf32>,
        tpu.vector_store %arg23[%parallel_loop3A_241], %parallel_loop3A_240 {strides = array<i32>} : memref<12304xf32, #tpu.memory_space<vmem>>, vector<16xf32>,
      } {sc.loop_unroll_factor = 4 : i64, sc.parallel_access}
      %scan3A_155 = arith.constant 0 : i32
      %scan3A_156 = arith.constant 128 : i32
      %scan3A_157 = arith.addi %scan3A_155, %scan3A_156 : i32
      %scan3A_158 = arith.constant 8 : i32
      scf.for %scan3A_160 = %scan3A_155 to %scan3A_157 step %scan3A_158  : i32 {
        %mul3A_161 = arith.constant 16 : i32
        %mul3A_162 = arith.muli %scan3A_160, %mul3A_161 : i32
        %get3A = arith.index_cast %mul3A_162 : i32 to index
        %get3A_163 = tpu.vector_load %arg23[%get3A] {strides = array<i32>} : memref<12304xf32, #tpu.memory_space<vmem>>, vector<16xf32>,
        %bitcast3A = vector.bitcast %get3A_163 : vector<16xf32> to vector<16xi32>
        %shift_right_arithmetic3A_164 = arith.constant 15 : i32
        %shift_right_arithmetic3A_165 = vector.broadcast %shift_right_arithmetic3A_164 : i32 to vector<16xi32>
        %shift_right_arithmetic3A_166 = arith.shrsi %bitcast3A, %shift_right_arithmetic3A_165 : vector<16xi32>
        %and3A_167 = arith.constant 32767 : i32
        %and3A_168 = vector.broadcast %and3A_167 : i32 to vector<16xi32>
        %and3A_169 = arith.andi %bitcast3A, %and3A_168 : vector<16xi32>
        %ge3A = arith.constant 0 : i32
        %ge3A_170 = vector.broadcast %ge3A : i32 to vector<16xi32>
        %ge3A_171 = arith.cmpi sge, %bitcast3A, %ge3A_170 : vector<16xi32>
        tpu.vector_store_idx %arg16[%shift_right_arithmetic3A_166], %and3A_169 masked %ge3A_171 : memref<12288xi32, #tpu.memory_space<vmem>>[vector<16xi32>], vector<16xi32>, vector<16xi1>
        %scan3A_172 = arith.constant 1 : i32
        %scan3A_173 = arith.addi %scan3A_160, %scan3A_172 : i32
        %mul3A_174 = arith.constant 16 : i32
        %mul3A_175 = arith.muli %scan3A_173, %mul3A_174 : i32
        %get3A_176 = arith.index_cast %mul3A_175 : i32 to index
        %get3A_177 = tpu.vector_load %arg23[%get3A_176] {strides = array<i32>} : memref<12304xf32, #tpu.memory_space<vmem>>, vector<16xf32>,
        %bitcast3A_178 = vector.bitcast %get3A_177 : vector<16xf32> to vector<16xi32>
        %shift_right_arithmetic3A_179 = arith.constant 15 : i32
        %shift_right_arithmetic3A_180 = vector.broadcast %shift_right_arithmetic3A_179 : i32 to vector<16xi32>
        %shift_right_arithmetic3A_181 = arith.shrsi %bitcast3A_178, %shift_right_arithmetic3A_180 : vector<16xi32>
        %and3A_182 = arith.constant 32767 : i32
        %and3A_183 = vector.broadcast %and3A_182 : i32 to vector<16xi32>
        %and3A_184 = arith.andi %bitcast3A_178, %and3A_183 : vector<16xi32>
        %ge3A_185 = arith.constant 0 : i32
        %ge3A_186 = vector.broadcast %ge3A_185 : i32 to vector<16xi32>
        %ge3A_187 = arith.cmpi sge, %bitcast3A_178, %ge3A_186 : vector<16xi32>
        tpu.vector_store_idx %arg16[%shift_right_arithmetic3A_181], %and3A_184 masked %ge3A_187 : memref<12288xi32, #tpu.memory_space<vmem>>[vector<16xi32>], vector<16xi32>, vector<16xi1>
        %scan3A_188 = arith.constant 2 : i32
        %scan3A_189 = arith.addi %scan3A_160, %scan3A_188 : i32
        %mul3A_190 = arith.constant 16 : i32
        %mul3A_191 = arith.muli %scan3A_189, %mul3A_190 : i32
        %get3A_192 = arith.index_cast %mul3A_191 : i32 to index
        %get3A_193 = tpu.vector_load %arg23[%get3A_192] {strides = array<i32>} : memref<12304xf32, #tpu.memory_space<vmem>>, vector<16xf32>,
        %bitcast3A_194 = vector.bitcast %get3A_193 : vector<16xf32> to vector<16xi32>
        %shift_right_arithmetic3A_195 = arith.constant 15 : i32
        %shift_right_arithmetic3A_196 = vector.broadcast %shift_right_arithmetic3A_195 : i32 to vector<16xi32>
        %shift_right_arithmetic3A_197 = arith.shrsi %bitcast3A_194, %shift_right_arithmetic3A_196 : vector<16xi32>
        %and3A_198 = arith.constant 32767 : i32
        %and3A_199 = vector.broadcast %and3A_198 : i32 to vector<16xi32>
        %and3A_200 = arith.andi %bitcast3A_194, %and3A_199 : vector<16xi32>
        %ge3A_201 = arith.constant 0 : i32
        %ge3A_202 = vector.broadcast %ge3A_201 : i32 to vector<16xi32>
        %ge3A_203 = arith.cmpi sge, %bitcast3A_194, %ge3A_202 : vector<16xi32>
        tpu.vector_store_idx %arg16[%shift_right_arithmetic3A_197], %and3A_200 masked %ge3A_203 : memref<12288xi32, #tpu.memory_space<vmem>>[vector<16xi32>], vector<16xi32>, vector<16xi1>
        %scan3A_204 = arith.constant 3 : i32
        %scan3A_205 = arith.addi %scan3A_160, %scan3A_204 : i32
        %mul3A_206 = arith.constant 16 : i32
        %mul3A_207 = arith.muli %scan3A_205, %mul3A_206 : i32
        %get3A_208 = arith.index_cast %mul3A_207 : i32 to index
        %get3A_209 = tpu.vector_load %arg23[%get3A_208] {strides = array<i32>} : memref<12304xf32, #tpu.memory_space<vmem>>, vector<16xf32>,
        %bitcast3A_210 = vector.bitcast %get3A_209 : vector<16xf32> to vector<16xi32>
        %shift_right_arithmetic3A_211 = arith.constant 15 : i32
        %shift_right_arithmetic3A_212 = vector.broadcast %shift_right_arithmetic3A_211 : i32 to vector<16xi32>
        %shift_right_arithmetic3A_213 = arith.shrsi %bitcast3A_210, %shift_right_arithmetic3A_212 : vector<16xi32>
        %and3A_214 = arith.constant 32767 : i32
        %and3A_215 = vector.broadcast %and3A_214 : i32 to vector<16xi32>
        %and3A_216 = arith.andi %bitcast3A_210, %and3A_215 : vector<16xi32>
        %ge3A_217 = arith.constant 0 : i32
        %ge3A_218 = vector.broadcast %ge3A_217 : i32 to vector<16xi32>
        %ge3A_219 = arith.cmpi sge, %bitcast3A_210, %ge3A_218 : vector<16xi32>
        tpu.vector_store_idx %arg16[%shift_right_arithmetic3A_213], %and3A_216 masked %ge3A_219 : memref<12288xi32, #tpu.memory_space<vmem>>[vector<16xi32>], vector<16xi32>, vector<16xi1>
        %scan3A_220 = arith.constant 4 : i32
        %scan3A_221 = arith.addi %scan3A_160, %scan3A_220 : i32
        %mul3A_222 = arith.constant 16 : i32
        %mul3A_223 = arith.muli %scan3A_221, %mul3A_222 : i32
        %get3A_224 = arith.index_cast %mul3A_223 : i32 to index
        %get3A_225 = tpu.vector_load %arg23[%get3A_224] {strides = array<i32>} : memref<12304xf32, #tpu.memory_space<vmem>>, vector<16xf32>,
        %bitcast3A_226 = vector.bitcast %get3A_225 : vector<16xf32> to vector<16xi32>
        %shift_right_arithmetic3A_227 = arith.constant 15 : i32
        %shift_right_arithmetic3A_228 = vector.broadcast %shift_right_arithmetic3A_227 : i32 to vector<16xi32>
        %shift_right_arithmetic3A_229 = arith.shrsi %bitcast3A_226, %shift_right_arithmetic3A_228 : vector<16xi32>
        %and3A_230 = arith.constant 32767 : i32
        %and3A_231 = vector.broadcast %and3A_230 : i32 to vector<16xi32>
        %and3A_232 = arith.andi %bitcast3A_226, %and3A_231 : vector<16xi32>
        %ge3A_233 = arith.constant 0 : i32
        %ge3A_234 = vector.broadcast %ge3A_233 : i32 to vector<16xi32>
        %ge3A_235 = arith.cmpi sge, %bitcast3A_226, %ge3A_234 : vector<16xi32>
        tpu.vector_store_idx %arg16[%shift_right_arithmetic3A_229], %and3A_232 masked %ge3A_235 : memref<12288xi32, #tpu.memory_space<vmem>>[vector<16xi32>], vector<16xi32>, vector<16xi1>
        %scan3A_236 = arith.constant 5 : i32
        %scan3A_237 = arith.addi %scan3A_160, %scan3A_236 : i32
        %mul3A_238 = arith.constant 16 : i32
        %mul3A_239 = arith.muli %scan3A_237, %mul3A_238 : i32
        %get3A_240 = arith.index_cast %mul3A_239 : i32 to index
        %get3A_241 = tpu.vector_load %arg23[%get3A_240] {strides = array<i32>} : memref<12304xf32, #tpu.memory_space<vmem>>, vector<16xf32>,
        %bitcast3A_242 = vector.bitcast %get3A_241 : vector<16xf32> to vector<16xi32>
        %shift_right_arithmetic3A_243 = arith.constant 15 : i32
        %shift_right_arithmetic3A_244 = vector.broadcast %shift_right_arithmetic3A_243 : i32 to vector<16xi32>
        %shift_right_arithmetic3A_245 = arith.shrsi %bitcast3A_242, %shift_right_arithmetic3A_244 : vector<16xi32>
        %and3A_246 = arith.constant 32767 : i32
        %and3A_247 = vector.broadcast %and3A_246 : i32 to vector<16xi32>
        %and3A_248 = arith.andi %bitcast3A_242, %and3A_247 : vector<16xi32>
        %ge3A_249 = arith.constant 0 : i32
        %ge3A_250 = vector.broadcast %ge3A_249 : i32 to vector<16xi32>
        %ge3A_251 = arith.cmpi sge, %bitcast3A_242, %ge3A_250 : vector<16xi32>
        tpu.vector_store_idx %arg16[%shift_right_arithmetic3A_245], %and3A_248 masked %ge3A_251 : memref<12288xi32, #tpu.memory_space<vmem>>[vector<16xi32>], vector<16xi32>, vector<16xi1>
        %scan3A_252 = arith.constant 6 : i32
        %scan3A_253 = arith.addi %scan3A_160, %scan3A_252 : i32
        %mul3A_254 = arith.constant 16 : i32
        %mul3A_255 = arith.muli %scan3A_253, %mul3A_254 : i32
        %get3A_256 = arith.index_cast %mul3A_255 : i32 to index
        %get3A_257 = tpu.vector_load %arg23[%get3A_256] {strides = array<i32>} : memref<12304xf32, #tpu.memory_space<vmem>>, vector<16xf32>,
        %bitcast3A_258 = vector.bitcast %get3A_257 : vector<16xf32> to vector<16xi32>
        %shift_right_arithmetic3A_259 = arith.constant 15 : i32
        %shift_right_arithmetic3A_260 = vector.broadcast %shift_right_arithmetic3A_259 : i32 to vector<16xi32>
        %shift_right_arithmetic3A_261 = arith.shrsi %bitcast3A_258, %shift_right_arithmetic3A_260 : vector<16xi32>
        %and3A_262 = arith.constant 32767 : i32
        %and3A_263 = vector.broadcast %and3A_262 : i32 to vector<16xi32>
        %and3A_264 = arith.andi %bitcast3A_258, %and3A_263 : vector<16xi32>
        %ge3A_265 = arith.constant 0 : i32
        %ge3A_266 = vector.broadcast %ge3A_265 : i32 to vector<16xi32>
        %ge3A_267 = arith.cmpi sge, %bitcast3A_258, %ge3A_266 : vector<16xi32>
        tpu.vector_store_idx %arg16[%shift_right_arithmetic3A_261], %and3A_264 masked %ge3A_267 : memref<12288xi32, #tpu.memory_space<vmem>>[vector<16xi32>], vector<16xi32>, vector<16xi1>
        %scan3A_268 = arith.constant 7 : i32
        %scan3A_269 = arith.addi %scan3A_160, %scan3A_268 : i32
        %mul3A_270 = arith.constant 16 : i32
        %mul3A_271 = arith.muli %scan3A_269, %mul3A_270 : i32
        %get3A_272 = arith.index_cast %mul3A_271 : i32 to index
        %get3A_273 = tpu.vector_load %arg23[%get3A_272] {strides = array<i32>} : memref<12304xf32, #tpu.memory_space<vmem>>, vector<16xf32>,
        %bitcast3A_274 = vector.bitcast %get3A_273 : vector<16xf32> to vector<16xi32>
        %shift_right_arithmetic3A_275 = arith.constant 15 : i32
        %shift_right_arithmetic3A_276 = vector.broadcast %shift_right_arithmetic3A_275 : i32 to vector<16xi32>
        %shift_right_arithmetic3A_277 = arith.shrsi %bitcast3A_274, %shift_right_arithmetic3A_276 : vector<16xi32>
        %and3A_278 = arith.constant 32767 : i32
        %and3A_279 = vector.broadcast %and3A_278 : i32 to vector<16xi32>
        %and3A_280 = arith.andi %bitcast3A_274, %and3A_279 : vector<16xi32>
        %ge3A_281 = arith.constant 0 : i32
        %ge3A_282 = vector.broadcast %ge3A_281 : i32 to vector<16xi32>
        %ge3A_283 = arith.cmpi sge, %bitcast3A_274, %ge3A_282 : vector<16xi32>
        tpu.vector_store_idx %arg16[%shift_right_arithmetic3A_277], %and3A_280 masked %ge3A_283 : memref<12288xi32, #tpu.memory_space<vmem>>[vector<16xi32>], vector<16xi32>, vector<16xi1>
      }
      %scan3A_159 = arith.constant 128 : i32
    }
    %scan3A_72 = arith.constant 32 : i32
    %scan3A_73 = arith.constant 0 : i32
    %scan3A_74 = arith.constant 0 : i32
    %scan3A_75 = arith.constant 768 : i32
    %scan3A_76 = arith.addi %scan3A_74, %scan3A_75 : i32
    %scan3A_77 = arith.constant 1 : i32
    %scan3A_78 = scf.for %scan3A_111 = %scan3A_74 to %scan3A_76 step %scan3A_77 iter_args(%scan3A_112 = %scan3A_73) -> (i32)  : i32 {
      %mul3A_113 = arith.constant 16 : i32
      %mul3A_114 = arith.muli %scan3A_111, %mul3A_113 : i32
      %get3A = arith.index_cast %mul3A_114 : i32 to index
      %get3A_115 = tpu.vector_load %arg16[%get3A] {strides = array<i32>} : memref<12288xi32, #tpu.memory_space<vmem>>, vector<16xi32>,
      %ge3A = arith.constant 0 : i32
      %ge3A_116 = vector.broadcast %ge3A : i32 to vector<16xi32>
      %ge3A_117 = arith.cmpi sge, %get3A_115, %ge3A_116 : vector<16xi32>
      %mul3A_118 = arith.constant 16 : i32
      %mul3A_119 = arith.muli %scan3A_111, %mul3A_118 : i32
      %add3A_120 = vector.broadcast %mul3A_119 : i32 to vector<16xi32>
      %add3A_121 = arith.addi %iota3A, %add3A_120 : vector<16xi32>
      %swap3A_122 = arith.index_cast %scan3A_112 : i32 to index
      %swap3A_123 = tpu.vector_load %arg21[%swap3A_122] masked %ge3A_117 {strides = array<i32>} : memref<12304xi32, #tpu.memory_space<vmem>>, vector<16xi32>, vector<16xi1>
      tpu.vector_store %arg21[%swap3A_122], %add3A_121 masked %ge3A_117 {strides = array<i32>} : memref<12304xi32, #tpu.memory_space<vmem>>, vector<16xi32>, vector<16xi1>
      %swap3A_124 = arith.index_cast %scan3A_112 : i32 to index
      %swap3A_125 = tpu.vector_load %arg22[%swap3A_124] masked %ge3A_117 {strides = array<i32>} : memref<12304xi32, #tpu.memory_space<vmem>>, vector<16xi32>, vector<16xi1>
      tpu.vector_store %arg22[%swap3A_124], %get3A_115 masked %ge3A_117 {strides = array<i32>} : memref<12304xi32, #tpu.memory_space<vmem>>, vector<16xi32>, vector<16xi1>
      %all_reduce_population_count3A = tpu.all_reduce %ge3A_117 {dim = 0 : i64, kind = #tpu.reduction_kind<sum>} : vector<16xi1> -> vector<16xi32>
      %reduce_max3A = arith.constant true
      %reduce_max3A_126 = vector.broadcast %reduce_max3A : i1 to vector<16xi1>
      %reduce_max3A_127 = arith.constant -2147483648 : i32
      %reduce_max3A_128 = vector.broadcast %reduce_max3A_127 : i32 to vector<16xi32>
      %reduce_max3A_129 = arith.xori %all_reduce_population_count3A, %reduce_max3A_128 : vector<16xi32>
      %reduce_max3A_130 = tpu.scan <max>, %reduce_max3A_129 masked %reduce_max3A_126 : vector<16xi32>, vector<16xi1> -> vector<16xi32>
      %reduce_max3A_131 = arith.xori %reduce_max3A_130, %reduce_max3A_128 : vector<16xi32>
      %reduce_max3A_132 = vector.extract %reduce_max3A_131[15] : i32 from vector<16xi32>
      %add3A_133 = arith.addi %scan3A_112, %reduce_max3A_132 : i32
      scf.yield %add3A_133 : i32
    }
    %scan3A_79 = arith.constant 768 : i32
    %dma_wait3A = tpu.memref_slice %arg9[%mul3A_2] : memref<393216xf32, #tpu.memory_space<hbm>> -> memref<12288xf32, #tpu.memory_space<hbm>>
    %dma_wait3A_80 = tpu.memref_slice %arg9[%mul3A_2] : memref<393216xf32, #tpu.memory_space<hbm>> -> memref<12288xf32, #tpu.memory_space<hbm>>
    tpu.wait_dma2 semaphore(%arg27 : memref<!tpu.dma_semaphore, #tpu.memory_space<semaphore_mem>>) src(%dma_wait3A_80 : memref<12288xf32, #tpu.memory_space<hbm>>) dst(%arg13 : memref<12288xf32, #tpu.memory_space<vmem>>)
    %dma_wait3A_81 = tpu.memref_slice %arg9[%mul3A_2] : memref<393216xf32, #tpu.memory_space<hbm>> -> memref<12288xf32, #tpu.memory_space<hbm>>
    %dma_wait3A_82 = tpu.memref_slice %arg9[%mul3A_2] : memref<393216xf32, #tpu.memory_space<hbm>> -> memref<12288xf32, #tpu.memory_space<hbm>>
    tpu.wait_dma2 semaphore(%arg27 : memref<!tpu.dma_semaphore, #tpu.memory_space<semaphore_mem>>) src(%dma_wait3A_82 : memref<12288xf32, #tpu.memory_space<hbm>>) dst(%arg14 : memref<12288xf32, #tpu.memory_space<vmem>>)
    %dma_wait3A_83 = tpu.memref_slice %arg9[%mul3A_2] : memref<393216xf32, #tpu.memory_space<hbm>> -> memref<12288xf32, #tpu.memory_space<hbm>>
    %dma_wait3A_84 = tpu.memref_slice %arg9[%mul3A_2] : memref<393216xf32, #tpu.memory_space<hbm>> -> memref<12288xf32, #tpu.memory_space<hbm>>
    tpu.wait_dma2 semaphore(%arg27 : memref<!tpu.dma_semaphore, #tpu.memory_space<semaphore_mem>>) src(%dma_wait3A_84 : memref<12288xf32, #tpu.memory_space<hbm>>) dst(%arg15 : memref<12288xf32, #tpu.memory_space<vmem>>)
    %add3A_85 = arith.constant 127 : i32
    %add3A_86 = arith.addi %scan3A_78, %add3A_85 : i32
    %shift_right_arithmetic3A = arith.constant 7 : i32
    %shift_right_arithmetic3A_87 = arith.shrsi %add3A_86, %shift_right_arithmetic3A : i32
    %while3A = arith.constant 0 : i32
    %while3A_88 = arith.constant 0 : i32
    %while3A_89 = arith.subi %shift_right_arithmetic3A_87, %while3A_88 : i32
    %while3A_90 = arith.addi %while3A_88, %while3A_89 : i32
    %while3A_91 = arith.constant 1 : i32
    %while3A_92 = arith.divsi %while3A_89, %while3A_91 : i32
    %while3A_93 = arith.muli %while3A_92, %while3A_91 : i32
    %while3A_94 = arith.addi %while3A_88, %while3A_93 : i32
    %while3A_95 = arith.constant 1 : i32
    scf.for %while3A_111 = %while3A_88 to %while3A_94 step %while3A_95  : i32 {
      %mul3A_112 = arith.constant 128 : i32
      %mul3A_113 = arith.muli %while3A_111, %mul3A_112 : i32
      %dma_start3A_114 = tpu.memref_slice %arg23[%mul3A_113] : memref<12304xf32, #tpu.memory_space<vmem>> -> memref<128xf32, #tpu.memory_space<vmem>>
      %dma_start3A_115 = tpu.memref_slice %arg22[%mul3A_113] : memref<12304xi32, #tpu.memory_space<vmem>> -> memref<128xi32, #tpu.memory_space<vmem>>
      %dma_start3A_116 = arith.constant 0 : i32
      %dma_start3A_117 = tpu.memref_slice %arg6[%dma_start3A_116] : memref<24576xf32, #tpu.memory_space<hbm>> -> memref<24576xf32, #tpu.memory_space<hbm>>
      tpu.enqueue_indirect_dma source(%dma_start3A_117 : memref<24576xf32, #tpu.memory_space<hbm>>) target(%dma_start3A_114 : memref<128xf32, #tpu.memory_space<vmem>>) offsets(%dma_start3A_115 : memref<128xi32, #tpu.memory_space<vmem>>) semaphore(%arg27 : memref<!tpu.dma_semaphore, #tpu.memory_space<semaphore_mem>>)
      %dma_start3A_118 = tpu.memref_slice %arg24[%mul3A_113] : memref<12304xf32, #tpu.memory_space<vmem>> -> memref<128xf32, #tpu.memory_space<vmem>>
      %dma_start3A_119 = tpu.memref_slice %arg22[%mul3A_113] : memref<12304xi32, #tpu.memory_space<vmem>> -> memref<128xi32, #tpu.memory_space<vmem>>
      %dma_start3A_120 = arith.constant 0 : i32
      %dma_start3A_121 = tpu.memref_slice %arg7[%dma_start3A_120] : memref<24576xf32, #tpu.memory_space<hbm>> -> memref<24576xf32, #tpu.memory_space<hbm>>
      tpu.enqueue_indirect_dma source(%dma_start3A_121 : memref<24576xf32, #tpu.memory_space<hbm>>) target(%dma_start3A_118 : memref<128xf32, #tpu.memory_space<vmem>>) offsets(%dma_start3A_119 : memref<128xi32, #tpu.memory_space<vmem>>) semaphore(%arg27 : memref<!tpu.dma_semaphore, #tpu.memory_space<semaphore_mem>>)
      %dma_start3A_122 = tpu.memref_slice %arg25[%mul3A_113] : memref<12304xf32, #tpu.memory_space<vmem>> -> memref<128xf32, #tpu.memory_space<vmem>>
      %dma_start3A_123 = tpu.memref_slice %arg22[%mul3A_113] : memref<12304xi32, #tpu.memory_space<vmem>> -> memref<128xi32, #tpu.memory_space<vmem>>
      %dma_start3A_124 = arith.constant 0 : i32
      %dma_start3A_125 = tpu.memref_slice %arg8[%dma_start3A_124] : memref<24576xf32, #tpu.memory_space<hbm>> -> memref<24576xf32, #tpu.memory_space<hbm>>
      tpu.enqueue_indirect_dma source(%dma_start3A_125 : memref<24576xf32, #tpu.memory_space<hbm>>) target(%dma_start3A_122 : memref<128xf32, #tpu.memory_space<vmem>>) offsets(%dma_start3A_123 : memref<128xi32, #tpu.memory_space<vmem>>) semaphore(%arg27 : memref<!tpu.dma_semaphore, #tpu.memory_space<semaphore_mem>>)
      %dma_wait3A_126 = tpu.memref_slice %arg23[%mul3A_113] : memref<12304xf32, #tpu.memory_space<vmem>> -> memref<128xf32, #tpu.memory_space<vmem>>
      %dma_wait3A_127 = tpu.memref_slice %arg22[%mul3A_113] : memref<12304xi32, #tpu.memory_space<vmem>> -> memref<128xi32, #tpu.memory_space<vmem>>
      %dma_wait3A_128 = arith.constant 0 : i32
      %dma_wait3A_129 = tpu.memref_slice %arg6[%dma_wait3A_128] : memref<24576xf32, #tpu.memory_space<hbm>> -> memref<24576xf32, #tpu.memory_space<hbm>>
      tpu.wait_indirect_dma semaphore(%arg27 : memref<!tpu.dma_semaphore, #tpu.memory_space<semaphore_mem>>) src(%dma_wait3A_129 : memref<24576xf32, #tpu.memory_space<hbm>>) dst(%dma_wait3A_126 : memref<128xf32, #tpu.memory_space<vmem>>)
      %dma_wait3A_130 = tpu.memref_slice %arg24[%mul3A_113] : memref<12304xf32, #tpu.memory_space<vmem>> -> memref<128xf32, #tpu.memory_space<vmem>>
      %dma_wait3A_131 = tpu.memref_slice %arg22[%mul3A_113] : memref<12304xi32, #tpu.memory_space<vmem>> -> memref<128xi32, #tpu.memory_space<vmem>>
      %dma_wait3A_132 = arith.constant 0 : i32
      %dma_wait3A_133 = tpu.memref_slice %arg7[%dma_wait3A_132] : memref<24576xf32, #tpu.memory_space<hbm>> -> memref<24576xf32, #tpu.memory_space<hbm>>
      tpu.wait_indirect_dma semaphore(%arg27 : memref<!tpu.dma_semaphore, #tpu.memory_space<semaphore_mem>>) src(%dma_wait3A_133 : memref<24576xf32, #tpu.memory_space<hbm>>) dst(%dma_wait3A_130 : memref<128xf32, #tpu.memory_space<vmem>>)
      %dma_wait3A_134 = tpu.memref_slice %arg25[%mul3A_113] : memref<12304xf32, #tpu.memory_space<vmem>> -> memref<128xf32, #tpu.memory_space<vmem>>
      %dma_wait3A_135 = tpu.memref_slice %arg22[%mul3A_113] : memref<12304xi32, #tpu.memory_space<vmem>> -> memref<128xi32, #tpu.memory_space<vmem>>
      %dma_wait3A_136 = arith.constant 0 : i32
      %dma_wait3A_137 = tpu.memref_slice %arg8[%dma_wait3A_136] : memref<24576xf32, #tpu.memory_space<hbm>> -> memref<24576xf32, #tpu.memory_space<hbm>>
      tpu.wait_indirect_dma semaphore(%arg27 : memref<!tpu.dma_semaphore, #tpu.memory_space<semaphore_mem>>) src(%dma_wait3A_137 : memref<24576xf32, #tpu.memory_space<hbm>>) dst(%dma_wait3A_134 : memref<128xf32, #tpu.memory_space<vmem>>)
    }
    %while3A_96 = arith.constant 1 : i32
    scf.for %while3A_111 = %while3A_94 to %while3A_90 step %while3A_96  : i32 {
      %mul3A_112 = arith.constant 128 : i32
      %mul3A_113 = arith.muli %while3A_111, %mul3A_112 : i32
      %dma_start3A_114 = tpu.memref_slice %arg23[%mul3A_113] : memref<12304xf32, #tpu.memory_space<vmem>> -> memref<128xf32, #tpu.memory_space<vmem>>
      %dma_start3A_115 = tpu.memref_slice %arg22[%mul3A_113] : memref<12304xi32, #tpu.memory_space<vmem>> -> memref<128xi32, #tpu.memory_space<vmem>>
      %dma_start3A_116 = arith.constant 0 : i32
      %dma_start3A_117 = tpu.memref_slice %arg6[%dma_start3A_116] : memref<24576xf32, #tpu.memory_space<hbm>> -> memref<24576xf32, #tpu.memory_space<hbm>>
      tpu.enqueue_indirect_dma source(%dma_start3A_117 : memref<24576xf32, #tpu.memory_space<hbm>>) target(%dma_start3A_114 : memref<128xf32, #tpu.memory_space<vmem>>) offsets(%dma_start3A_115 : memref<128xi32, #tpu.memory_space<vmem>>) semaphore(%arg27 : memref<!tpu.dma_semaphore, #tpu.memory_space<semaphore_mem>>)
      %dma_start3A_118 = tpu.memref_slice %arg24[%mul3A_113] : memref<12304xf32, #tpu.memory_space<vmem>> -> memref<128xf32, #tpu.memory_space<vmem>>
      %dma_start3A_119 = tpu.memref_slice %arg22[%mul3A_113] : memref<12304xi32, #tpu.memory_space<vmem>> -> memref<128xi32, #tpu.memory_space<vmem>>
      %dma_start3A_120 = arith.constant 0 : i32
      %dma_start3A_121 = tpu.memref_slice %arg7[%dma_start3A_120] : memref<24576xf32, #tpu.memory_space<hbm>> -> memref<24576xf32, #tpu.memory_space<hbm>>
      tpu.enqueue_indirect_dma source(%dma_start3A_121 : memref<24576xf32, #tpu.memory_space<hbm>>) target(%dma_start3A_118 : memref<128xf32, #tpu.memory_space<vmem>>) offsets(%dma_start3A_119 : memref<128xi32, #tpu.memory_space<vmem>>) semaphore(%arg27 : memref<!tpu.dma_semaphore, #tpu.memory_space<semaphore_mem>>)
      %dma_start3A_122 = tpu.memref_slice %arg25[%mul3A_113] : memref<12304xf32, #tpu.memory_space<vmem>> -> memref<128xf32, #tpu.memory_space<vmem>>
      %dma_start3A_123 = tpu.memref_slice %arg22[%mul3A_113] : memref<12304xi32, #tpu.memory_space<vmem>> -> memref<128xi32, #tpu.memory_space<vmem>>
      %dma_start3A_124 = arith.constant 0 : i32
      %dma_start3A_125 = tpu.memref_slice %arg8[%dma_start3A_124] : memref<24576xf32, #tpu.memory_space<hbm>> -> memref<24576xf32, #tpu.memory_space<hbm>>
      tpu.enqueue_indirect_dma source(%dma_start3A_125 : memref<24576xf32, #tpu.memory_space<hbm>>) target(%dma_start3A_122 : memref<128xf32, #tpu.memory_space<vmem>>) offsets(%dma_start3A_123 : memref<128xi32, #tpu.memory_space<vmem>>) semaphore(%arg27 : memref<!tpu.dma_semaphore, #tpu.memory_space<semaphore_mem>>)
      %dma_wait3A_126 = tpu.memref_slice %arg23[%mul3A_113] : memref<12304xf32, #tpu.memory_space<vmem>> -> memref<128xf32, #tpu.memory_space<vmem>>
      %dma_wait3A_127 = tpu.memref_slice %arg22[%mul3A_113] : memref<12304xi32, #tpu.memory_space<vmem>> -> memref<128xi32, #tpu.memory_space<vmem>>
      %dma_wait3A_128 = arith.constant 0 : i32
      %dma_wait3A_129 = tpu.memref_slice %arg6[%dma_wait3A_128] : memref<24576xf32, #tpu.memory_space<hbm>> -> memref<24576xf32, #tpu.memory_space<hbm>>
      tpu.wait_indirect_dma semaphore(%arg27 : memref<!tpu.dma_semaphore, #tpu.memory_space<semaphore_mem>>) src(%dma_wait3A_129 : memref<24576xf32, #tpu.memory_space<hbm>>) dst(%dma_wait3A_126 : memref<128xf32, #tpu.memory_space<vmem>>)
      %dma_wait3A_130 = tpu.memref_slice %arg24[%mul3A_113] : memref<12304xf32, #tpu.memory_space<vmem>> -> memref<128xf32, #tpu.memory_space<vmem>>
      %dma_wait3A_131 = tpu.memref_slice %arg22[%mul3A_113] : memref<12304xi32, #tpu.memory_space<vmem>> -> memref<128xi32, #tpu.memory_space<vmem>>
      %dma_wait3A_132 = arith.constant 0 : i32
      %dma_wait3A_133 = tpu.memref_slice %arg7[%dma_wait3A_132] : memref<24576xf32, #tpu.memory_space<hbm>> -> memref<24576xf32, #tpu.memory_space<hbm>>
      tpu.wait_indirect_dma semaphore(%arg27 : memref<!tpu.dma_semaphore, #tpu.memory_space<semaphore_mem>>) src(%dma_wait3A_133 : memref<24576xf32, #tpu.memory_space<hbm>>) dst(%dma_wait3A_130 : memref<128xf32, #tpu.memory_space<vmem>>)
      %dma_wait3A_134 = tpu.memref_slice %arg25[%mul3A_113] : memref<12304xf32, #tpu.memory_space<vmem>> -> memref<128xf32, #tpu.memory_space<vmem>>
      %dma_wait3A_135 = tpu.memref_slice %arg22[%mul3A_113] : memref<12304xi32, #tpu.memory_space<vmem>> -> memref<128xi32, #tpu.memory_space<vmem>>
      %dma_wait3A_136 = arith.constant 0 : i32
      %dma_wait3A_137 = tpu.memref_slice %arg8[%dma_wait3A_136] : memref<24576xf32, #tpu.memory_space<hbm>> -> memref<24576xf32, #tpu.memory_space<hbm>>
      tpu.wait_indirect_dma semaphore(%arg27 : memref<!tpu.dma_semaphore, #tpu.memory_space<semaphore_mem>>) src(%dma_wait3A_137 : memref<24576xf32, #tpu.memory_space<hbm>>) dst(%dma_wait3A_134 : memref<128xf32, #tpu.memory_space<vmem>>)
    }
    %add3A_97 = arith.constant 15 : i32
    %add3A_98 = arith.addi %scan3A_78, %add3A_97 : i32
    %shift_right_arithmetic3A_99 = arith.constant 4 : i32
    %shift_right_arithmetic3A_100 = arith.shrsi %add3A_98, %shift_right_arithmetic3A_99 : i32
    %while3A_101 = arith.constant 0 : i32
    %while3A_102 = arith.constant 0 : i32
    %while3A_103 = arith.subi %shift_right_arithmetic3A_100, %while3A_102 : i32
    %while3A_104 = arith.addi %while3A_102, %while3A_103 : i32
    %while3A_105 = arith.constant 1 : i32
    %while3A_106 = arith.divsi %while3A_103, %while3A_105 : i32
    %while3A_107 = arith.muli %while3A_106, %while3A_105 : i32
    %while3A_108 = arith.addi %while3A_102, %while3A_107 : i32
    %while3A_109 = arith.constant 1 : i32
    scf.for %while3A_111 = %while3A_102 to %while3A_108 step %while3A_109  : i32 {
      %mul3A_112 = arith.constant 16 : i32
      %mul3A_113 = arith.muli %while3A_111, %mul3A_112 : i32
      %add3A_114 = vector.broadcast %mul3A_113 : i32 to vector<16xi32>
      %add3A_115 = arith.addi %iota3A, %add3A_114 : vector<16xi32>
      %lt3A = vector.broadcast %scan3A_78 : i32 to vector<16xi32>
      %lt3A_116 = arith.cmpi slt, %add3A_115, %lt3A : vector<16xi32>
      %get3A = arith.index_cast %mul3A_113 : i32 to index
      %get3A_117 = tpu.vector_load %arg21[%get3A] {strides = array<i32>} : memref<12304xi32, #tpu.memory_space<vmem>>, vector<16xi32>,
      %get3A_118 = arith.index_cast %mul3A_113 : i32 to index
      %get3A_119 = tpu.vector_load %arg23[%get3A_118] {strides = array<i32>} : memref<12304xf32, #tpu.memory_space<vmem>>, vector<16xf32>,
      tpu.vector_store_idx %arg13[%get3A_117], %get3A_119 masked %lt3A_116 : memref<12288xf32, #tpu.memory_space<vmem>>[vector<16xi32>], vector<16xf32>, vector<16xi1>
      %get3A_120 = arith.index_cast %mul3A_113 : i32 to index
      %get3A_121 = tpu.vector_load %arg24[%get3A_120] {strides = array<i32>} : memref<12304xf32, #tpu.memory_space<vmem>>, vector<16xf32>,
      tpu.vector_store_idx %arg14[%get3A_117], %get3A_121 masked %lt3A_116 : memref<12288xf32, #tpu.memory_space<vmem>>[vector<16xi32>], vector<16xf32>, vector<16xi1>
      %get3A_122 = arith.index_cast %mul3A_113 : i32 to index
      %get3A_123 = tpu.vector_load %arg25[%get3A_122] {strides = array<i32>} : memref<12304xf32, #tpu.memory_space<vmem>>, vector<16xf32>,
      tpu.vector_store_idx %arg15[%get3A_117], %get3A_123 masked %lt3A_116 : memref<12288xf32, #tpu.memory_space<vmem>>[vector<16xi32>], vector<16xf32>, vector<16xi1>
    }
    %while3A_110 = arith.constant 1 : i32
    scf.for %while3A_111 = %while3A_108 to %while3A_104 step %while3A_110  : i32 {
      %mul3A_112 = arith.constant 16 : i32
      %mul3A_113 = arith.muli %while3A_111, %mul3A_112 : i32
      %add3A_114 = vector.broadcast %mul3A_113 : i32 to vector<16xi32>
      %add3A_115 = arith.addi %iota3A, %add3A_114 : vector<16xi32>
      %lt3A = vector.broadcast %scan3A_78 : i32 to vector<16xi32>
      %lt3A_116 = arith.cmpi slt, %add3A_115, %lt3A : vector<16xi32>
      %get3A = arith.index_cast %mul3A_113 : i32 to index
      %get3A_117 = tpu.vector_load %arg21[%get3A] {strides = array<i32>} : memref<12304xi32, #tpu.memory_space<vmem>>, vector<16xi32>,
      %get3A_118 = arith.index_cast %mul3A_113 : i32 to index
      %get3A_119 = tpu.vector_load %arg23[%get3A_118] {strides = array<i32>} : memref<12304xf32, #tpu.memory_space<vmem>>, vector<16xf32>,
      tpu.vector_store_idx %arg13[%get3A_117], %get3A_119 masked %lt3A_116 : memref<12288xf32, #tpu.memory_space<vmem>>[vector<16xi32>], vector<16xf32>, vector<16xi1>
      %get3A_120 = arith.index_cast %mul3A_113 : i32 to index
      %get3A_121 = tpu.vector_load %arg24[%get3A_120] {strides = array<i32>} : memref<12304xf32, #tpu.memory_space<vmem>>, vector<16xf32>,
      tpu.vector_store_idx %arg14[%get3A_117], %get3A_121 masked %lt3A_116 : memref<12288xf32, #tpu.memory_space<vmem>>[vector<16xi32>], vector<16xf32>, vector<16xi1>
      %get3A_122 = arith.index_cast %mul3A_113 : i32 to index
      %get3A_123 = tpu.vector_load %arg25[%get3A_122] {strides = array<i32>} : memref<12304xf32, #tpu.memory_space<vmem>>, vector<16xf32>,
      tpu.vector_store_idx %arg15[%get3A_117], %get3A_123 masked %lt3A_116 : memref<12288xf32, #tpu.memory_space<vmem>>[vector<16xi32>], vector<16xf32>, vector<16xi1>
    }
    "tpu.region"() ({
      %run_scoped3A = tpu.sem_alloc : memref<!tpu.dma_semaphore, #tpu.memory_space<semaphore_mem>>
      %dma_start3A_111 = tpu.memref_slice %arg10[%mul3A_2] : memref<393216xf32, #tpu.memory_space<hbm>> -> memref<12288xf32, #tpu.memory_space<hbm>>
      %dma_start3A_112 = tpu.memref_slice %arg10[%mul3A_2] : memref<393216xf32, #tpu.memory_space<hbm>> -> memref<12288xf32, #tpu.memory_space<hbm>>
      tpu.enqueue_dma source(%arg13 : memref<12288xf32, #tpu.memory_space<vmem>>) target(%dma_start3A_112 : memref<12288xf32, #tpu.memory_space<hbm>>) target_semaphore(%run_scoped3A : memref<!tpu.dma_semaphore, #tpu.memory_space<semaphore_mem>>)
      %dma_wait3A_113 = tpu.memref_slice %arg10[%mul3A_2] : memref<393216xf32, #tpu.memory_space<hbm>> -> memref<12288xf32, #tpu.memory_space<hbm>>
      %dma_wait3A_114 = tpu.memref_slice %arg10[%mul3A_2] : memref<393216xf32, #tpu.memory_space<hbm>> -> memref<12288xf32, #tpu.memory_space<hbm>>
      tpu.wait_dma2 semaphore(%run_scoped3A : memref<!tpu.dma_semaphore, #tpu.memory_space<semaphore_mem>>) src(%arg13 : memref<12288xf32, #tpu.memory_space<vmem>>) dst(%dma_wait3A_114 : memref<12288xf32, #tpu.memory_space<hbm>>)
      tpu.yield
    }) : () -> ()
    "tpu.region"() ({
      %run_scoped3A = tpu.sem_alloc : memref<!tpu.dma_semaphore, #tpu.memory_space<semaphore_mem>>
      %dma_start3A_111 = tpu.memref_slice %arg11[%mul3A_2] : memref<393216xf32, #tpu.memory_space<hbm>> -> memref<12288xf32, #tpu.memory_space<hbm>>
      %dma_start3A_112 = tpu.memref_slice %arg11[%mul3A_2] : memref<393216xf32, #tpu.memory_space<hbm>> -> memref<12288xf32, #tpu.memory_space<hbm>>
      tpu.enqueue_dma source(%arg14 : memref<12288xf32, #tpu.memory_space<vmem>>) target(%dma_start3A_112 : memref<12288xf32, #tpu.memory_space<hbm>>) target_semaphore(%run_scoped3A : memref<!tpu.dma_semaphore, #tpu.memory_space<semaphore_mem>>)
      %dma_wait3A_113 = tpu.memref_slice %arg11[%mul3A_2] : memref<393216xf32, #tpu.memory_space<hbm>> -> memref<12288xf32, #tpu.memory_space<hbm>>
      %dma_wait3A_114 = tpu.memref_slice %arg11[%mul3A_2] : memref<393216xf32, #tpu.memory_space<hbm>> -> memref<12288xf32, #tpu.memory_space<hbm>>
      tpu.wait_dma2 semaphore(%run_scoped3A : memref<!tpu.dma_semaphore, #tpu.memory_space<semaphore_mem>>) src(%arg14 : memref<12288xf32, #tpu.memory_space<vmem>>) dst(%dma_wait3A_114 : memref<12288xf32, #tpu.memory_space<hbm>>)
      tpu.yield
    }) : () -> ()
    "tpu.region"() ({
      %run_scoped3A = tpu.sem_alloc : memref<!tpu.dma_semaphore, #tpu.memory_space<semaphore_mem>>
      %dma_start3A_111 = tpu.memref_slice %arg12[%mul3A_2] : memref<393216xf32, #tpu.memory_space<hbm>> -> memref<12288xf32, #tpu.memory_space<hbm>>
      %dma_start3A_112 = tpu.memref_slice %arg12[%mul3A_2] : memref<393216xf32, #tpu.memory_space<hbm>> -> memref<12288xf32, #tpu.memory_space<hbm>>
      tpu.enqueue_dma source(%arg15 : memref<12288xf32, #tpu.memory_space<vmem>>) target(%dma_start3A_112 : memref<12288xf32, #tpu.memory_space<hbm>>) target_semaphore(%run_scoped3A : memref<!tpu.dma_semaphore, #tpu.memory_space<semaphore_mem>>)
      %dma_wait3A_113 = tpu.memref_slice %arg12[%mul3A_2] : memref<393216xf32, #tpu.memory_space<hbm>> -> memref<12288xf32, #tpu.memory_space<hbm>>
      %dma_wait3A_114 = tpu.memref_slice %arg12[%mul3A_2] : memref<393216xf32, #tpu.memory_space<hbm>> -> memref<12288xf32, #tpu.memory_space<hbm>>
      tpu.wait_dma2 semaphore(%run_scoped3A : memref<!tpu.dma_semaphore, #tpu.memory_space<semaphore_mem>>) src(%arg15 : memref<12288xf32, #tpu.memory_space<vmem>>) dst(%dma_wait3A_114 : memref<12288xf32, #tpu.memory_space<hbm>>)
      tpu.yield
    }) : () -> ()
    return
  }
}

module attributes {stable_mosaic.version = 14 : i64} {
  func.func @_tc_chain_body(%arg0: memref<6x256x256xf32, #tpu.memory_space<vmem>>, %arg1: memref<6x256x256xf32, #tpu.memory_space<vmem>>, %arg2: memref<6x256x256xf32, #tpu.memory_space<vmem>>, %arg3: memref<6x256x256xf32, #tpu.memory_space<vmem>>, %arg4: memref<12x6x256xf32, #tpu.memory_space<vmem>>, %arg5: memref<1x8xf32, #tpu.memory_space<smem>>, %arg6: memref<256x129xf32, #tpu.memory_space<vmem>>, %arg7: memref<256x129xf32, #tpu.memory_space<vmem>>, %arg8: memref<12x6x129xf32, #tpu.memory_space<vmem>>, %arg9: memref<12x6x129xf32, #tpu.memory_space<vmem>>) attributes {dimension_semantics = [], scalar_prefetch = 0 : i64, scratch_operands = 0 : i64, tpu.core_type = #tpu.core_type<tc>} {
    %iota3A = tpu.iota {dimensions = array<i32: 1>} : vector<1x256xi32>
    %convert_element_type3A = arith.sitofp %iota3A : vector<1x256xi32> to vector<1x256xf32>
    %mul3A = arith.constant 6.28318548 : f32
    %mul3A_0 = vector.broadcast %mul3A : f32 to vector<1x256xf32>
    %mul3A_1 = arith.mulf %convert_element_type3A, %mul3A_0 : vector<1x256xf32>
    %get3A = arith.constant 0 : index
    %get3A_2 = arith.constant 0 : index
    %get3A_3 = memref.load %arg5[%get3A, %get3A_2] : memref<1x8xf32, #tpu.memory_space<smem>>
    %get3A_4 = arith.constant 0 : index
    %get3A_5 = arith.constant 1 : index
    %get3A_6 = memref.load %arg5[%get3A_4, %get3A_5] : memref<1x8xf32, #tpu.memory_space<smem>>
    %mul3A_7 = vector.broadcast %get3A_3 : f32 to vector<1x256xf32>
    %mul3A_8 = arith.mulf %mul3A_1, %mul3A_7 : vector<1x256xf32>
    %add3A = vector.broadcast %get3A_6 : f32 to vector<1x256xf32>
    %add3A_9 = arith.addf %mul3A_8, %add3A : vector<1x256xf32>
    %sin3A = math.sin %add3A_9 : vector<1x256xf32>
    %mul3A_10 = arith.mulf %sin3A, %sin3A : vector<1x256xf32>
    %mul3A_11 = arith.constant 1.000000e-01 : f32
    %mul3A_12 = vector.broadcast %mul3A_11 : f32 to vector<1x256xf32>
    %mul3A_13 = arith.mulf %mul3A_10, %mul3A_12 : vector<1x256xf32>
    %add3A_14 = arith.constant 0.949999988 : f32
    %add3A_15 = vector.broadcast %add3A_14 : f32 to vector<1x256xf32>
    %add3A_16 = arith.addf %mul3A_13, %add3A_15 : vector<1x256xf32>
    %get3A_17 = arith.constant 0 : index
    %get3A_18 = arith.constant 2 : index
    %get3A_19 = memref.load %arg5[%get3A_17, %get3A_18] : memref<1x8xf32, #tpu.memory_space<smem>>
    %get3A_20 = arith.constant 0 : index
    %get3A_21 = arith.constant 3 : index
    %get3A_22 = memref.load %arg5[%get3A_20, %get3A_21] : memref<1x8xf32, #tpu.memory_space<smem>>
    %mul3A_23 = vector.broadcast %get3A_19 : f32 to vector<1x256xf32>
    %mul3A_24 = arith.mulf %mul3A_1, %mul3A_23 : vector<1x256xf32>
    %add3A_25 = vector.broadcast %get3A_22 : f32 to vector<1x256xf32>
    %add3A_26 = arith.addf %mul3A_24, %add3A_25 : vector<1x256xf32>
    %sin3A_27 = math.sin %add3A_26 : vector<1x256xf32>
    %mul3A_28 = arith.mulf %sin3A_27, %sin3A_27 : vector<1x256xf32>
    %mul3A_29 = arith.constant 1.000000e-01 : f32
    %mul3A_30 = vector.broadcast %mul3A_29 : f32 to vector<1x256xf32>
    %mul3A_31 = arith.mulf %mul3A_28, %mul3A_30 : vector<1x256xf32>
    %add3A_32 = arith.constant 0.949999988 : f32
    %add3A_33 = vector.broadcast %add3A_32 : f32 to vector<1x256xf32>
    %add3A_34 = arith.addf %mul3A_31, %add3A_33 : vector<1x256xf32>
    %get3A_35 = arith.constant 0 : index
    %get3A_36 = arith.constant 4 : index
    %get3A_37 = memref.load %arg5[%get3A_35, %get3A_36] : memref<1x8xf32, #tpu.memory_space<smem>>
    %get3A_38 = arith.constant 0 : index
    %get3A_39 = arith.constant 5 : index
    %get3A_40 = memref.load %arg5[%get3A_38, %get3A_39] : memref<1x8xf32, #tpu.memory_space<smem>>
    %mul3A_41 = vector.broadcast %get3A_37 : f32 to vector<1x256xf32>
    %mul3A_42 = arith.mulf %mul3A_1, %mul3A_41 : vector<1x256xf32>
    %add3A_43 = vector.broadcast %get3A_40 : f32 to vector<1x256xf32>
    %add3A_44 = arith.addf %mul3A_42, %add3A_43 : vector<1x256xf32>
    %sin3A_45 = math.sin %add3A_44 : vector<1x256xf32>
    %mul3A_46 = arith.mulf %sin3A_45, %sin3A_45 : vector<1x256xf32>
    %mul3A_47 = arith.constant 1.000000e-01 : f32
    %mul3A_48 = vector.broadcast %mul3A_47 : f32 to vector<1x256xf32>
    %mul3A_49 = arith.mulf %mul3A_46, %mul3A_48 : vector<1x256xf32>
    %add3A_50 = arith.constant 0.949999988 : f32
    %add3A_51 = vector.broadcast %add3A_50 : f32 to vector<1x256xf32>
    %add3A_52 = arith.addf %mul3A_49, %add3A_51 : vector<1x256xf32>
    %get3A_53 = arith.constant 0 : index
    %get3A_54 = arith.constant 0 : index
    %get3A_55 = vector.load %arg6[%get3A_53, %get3A_54] : memref<256x129xf32, #tpu.memory_space<vmem>>, vector<256x129xf32>
    %get3A_56 = arith.constant 0 : index
    %get3A_57 = arith.constant 0 : index
    %get3A_58 = vector.load %arg7[%get3A_56, %get3A_57] : memref<256x129xf32, #tpu.memory_space<vmem>>, vector<256x129xf32>
    %get3A_59 = arith.constant 0 : index
    %get3A_60 = arith.constant 0 : index
    %get3A_61 = arith.constant 0 : index
    %get3A_62 = vector.load %arg3[%get3A_59, %get3A_60, %get3A_61] : memref<6x256x256xf32, #tpu.memory_space<vmem>>, vector<1x256x256xf32>
    %get3A_63 = vector.shape_cast %get3A_62 : vector<1x256x256xf32> to vector<256x256xf32>
    %mul3A_64 = arith.constant 9.750000e-01 : f32
    %mul3A_65 = vector.broadcast %mul3A_64 : f32 to vector<256x256xf32>
    %mul3A_66 = arith.mulf %get3A_63, %mul3A_65 : vector<256x256xf32>
    %get3A_67 = arith.constant 0 : index
    %get3A_68 = arith.constant 0 : index
    %get3A_69 = arith.constant 0 : index
    %get3A_70 = vector.load %arg0[%get3A_67, %get3A_68, %get3A_69] : memref<6x256x256xf32, #tpu.memory_space<vmem>>, vector<1x256x256xf32>
    %get3A_71 = vector.shape_cast %get3A_70 : vector<1x256x256xf32> to vector<256x256xf32>
    %add3A_72 = arith.addf %get3A_71, %mul3A_66 : vector<256x256xf32>
    %get3A_73 = arith.constant 0 : index
    %get3A_74 = arith.constant 0 : index
    %get3A_75 = arith.constant 0 : index
    %get3A_76 = vector.load %arg1[%get3A_73, %get3A_74, %get3A_75] : memref<6x256x256xf32, #tpu.memory_space<vmem>>, vector<1x256x256xf32>
    %get3A_77 = vector.shape_cast %get3A_76 : vector<1x256x256xf32> to vector<256x256xf32>
    %add3A_78 = arith.addf %get3A_77, %mul3A_66 : vector<256x256xf32>
    %get3A_79 = arith.constant 0 : index
    %get3A_80 = arith.constant 0 : index
    %get3A_81 = arith.constant 0 : index
    %get3A_82 = vector.load %arg2[%get3A_79, %get3A_80, %get3A_81] : memref<6x256x256xf32, #tpu.memory_space<vmem>>, vector<1x256x256xf32>
    %get3A_83 = vector.shape_cast %get3A_82 : vector<1x256x256xf32> to vector<256x256xf32>
    %add3A_84 = arith.addf %get3A_83, %mul3A_66 : vector<256x256xf32>
    %get3A_85 = arith.constant 0 : index
    %get3A_86 = arith.constant 0 : index
    %get3A_87 = arith.constant 0 : index
    %get3A_88 = vector.load %arg4[%get3A_85, %get3A_86, %get3A_87] : memref<12x6x256xf32, #tpu.memory_space<vmem>>, vector<12x1x256xf32>
    %get3A_89 = vector.shape_cast %get3A_88 : vector<12x1x256xf32> to vector<12x256xf32>
    %dot_general3A = arith.constant dense<0.000000e+00> : vector<12x256xf32>
    %dot_general3A_90 = tpu.matmul %get3A_89, %add3A_72, %dot_general3A {dimension_numbers = #tpu.dot_dimension_numbers<[1], [0], [0], [1], [0, 0, 1, 1], [], []>, transpose_lhs_hint = false} : vector<12x256xf32>, vector<256x256xf32>, vector<12x256xf32> -> vector<12x256xf32>
    %div3A = vector.broadcast %add3A_16 : vector<1x256xf32> to vector<12x256xf32>
    %div3A_91 = arith.divf %dot_general3A_90, %div3A : vector<12x256xf32>
    %dot_general3A_92 = arith.constant dense<0.000000e+00> : vector<12x256xf32>
    %dot_general3A_93 = tpu.matmul %div3A_91, %add3A_78, %dot_general3A_92 {dimension_numbers = #tpu.dot_dimension_numbers<[1], [0], [0], [1], [0, 0, 1, 1], [], []>, transpose_lhs_hint = false} : vector<12x256xf32>, vector<256x256xf32>, vector<12x256xf32> -> vector<12x256xf32>
    %mul3A_94 = vector.broadcast %add3A_34 : vector<1x256xf32> to vector<12x256xf32>
    %mul3A_95 = arith.mulf %dot_general3A_93, %mul3A_94 : vector<12x256xf32>
    %dot_general3A_96 = arith.constant dense<0.000000e+00> : vector<12x256xf32>
    %dot_general3A_97 = tpu.matmul %mul3A_95, %add3A_84, %dot_general3A_96 {dimension_numbers = #tpu.dot_dimension_numbers<[1], [0], [0], [1], [0, 0, 1, 1], [], []>, transpose_lhs_hint = false} : vector<12x256xf32>, vector<256x256xf32>, vector<12x256xf32> -> vector<12x256xf32>
    %div3A_98 = vector.broadcast %add3A_52 : vector<1x256xf32> to vector<12x256xf32>
    %div3A_99 = arith.divf %dot_general3A_97, %div3A_98 : vector<12x256xf32>
    %dot_general3A_100 = arith.constant dense<0.000000e+00> : vector<12x129xf32>
    %dot_general3A_101 = tpu.matmul %div3A_99, %get3A_55, %dot_general3A_100 {dimension_numbers = #tpu.dot_dimension_numbers<[1], [0], [0], [1], [0, 0, 1, 1], [], []>, transpose_lhs_hint = false} : vector<12x256xf32>, vector<256x129xf32>, vector<12x129xf32> -> vector<12x129xf32>
    %swap3A = arith.constant 0 : index
    %swap3A_102 = arith.constant 0 : index
    %swap3A_103 = arith.constant 0 : index
    %swap3A_104 = vector.load %arg8[%swap3A, %swap3A_102, %swap3A_103] : memref<12x6x129xf32, #tpu.memory_space<vmem>>, vector<12x1x129xf32>
    %swap3A_105 = vector.shape_cast %swap3A_104 : vector<12x1x129xf32> to vector<12x129xf32>
    %swap3A_106 = vector.shape_cast %dot_general3A_101 : vector<12x129xf32> to vector<12x1x129xf32>
    tpu.vector_store %arg8[%swap3A, %swap3A_102, %swap3A_103], %swap3A_106 {strides = array<i32>} : memref<12x6x129xf32, #tpu.memory_space<vmem>>, vector<12x1x129xf32>,
    %dot_general3A_107 = arith.constant dense<0.000000e+00> : vector<12x129xf32>
    %dot_general3A_108 = tpu.matmul %div3A_99, %get3A_58, %dot_general3A_107 {dimension_numbers = #tpu.dot_dimension_numbers<[1], [0], [0], [1], [0, 0, 1, 1], [], []>, transpose_lhs_hint = false} : vector<12x256xf32>, vector<256x129xf32>, vector<12x129xf32> -> vector<12x129xf32>
    %swap3A_109 = arith.constant 0 : index
    %swap3A_110 = arith.constant 0 : index
    %swap3A_111 = arith.constant 0 : index
    %swap3A_112 = vector.load %arg9[%swap3A_109, %swap3A_110, %swap3A_111] : memref<12x6x129xf32, #tpu.memory_space<vmem>>, vector<12x1x129xf32>
    %swap3A_113 = vector.shape_cast %swap3A_112 : vector<12x1x129xf32> to vector<12x129xf32>
    %swap3A_114 = vector.shape_cast %dot_general3A_108 : vector<12x129xf32> to vector<12x1x129xf32>
    tpu.vector_store %arg9[%swap3A_109, %swap3A_110, %swap3A_111], %swap3A_114 {strides = array<i32>} : memref<12x6x129xf32, #tpu.memory_space<vmem>>, vector<12x1x129xf32>,
    %get3A_115 = arith.constant 1 : index
    %get3A_116 = arith.constant 0 : index
    %get3A_117 = arith.constant 0 : index
    %get3A_118 = vector.load %arg3[%get3A_115, %get3A_116, %get3A_117] : memref<6x256x256xf32, #tpu.memory_space<vmem>>, vector<1x256x256xf32>
    %get3A_119 = vector.shape_cast %get3A_118 : vector<1x256x256xf32> to vector<256x256xf32>
    %mul3A_120 = arith.constant 9.750000e-01 : f32
    %mul3A_121 = vector.broadcast %mul3A_120 : f32 to vector<256x256xf32>
    %mul3A_122 = arith.mulf %get3A_119, %mul3A_121 : vector<256x256xf32>
    %get3A_123 = arith.constant 1 : index
    %get3A_124 = arith.constant 0 : index
    %get3A_125 = arith.constant 0 : index
    %get3A_126 = vector.load %arg0[%get3A_123, %get3A_124, %get3A_125] : memref<6x256x256xf32, #tpu.memory_space<vmem>>, vector<1x256x256xf32>
    %get3A_127 = vector.shape_cast %get3A_126 : vector<1x256x256xf32> to vector<256x256xf32>
    %add3A_128 = arith.addf %get3A_127, %mul3A_122 : vector<256x256xf32>
    %get3A_129 = arith.constant 1 : index
    %get3A_130 = arith.constant 0 : index
    %get3A_131 = arith.constant 0 : index
    %get3A_132 = vector.load %arg1[%get3A_129, %get3A_130, %get3A_131] : memref<6x256x256xf32, #tpu.memory_space<vmem>>, vector<1x256x256xf32>
    %get3A_133 = vector.shape_cast %get3A_132 : vector<1x256x256xf32> to vector<256x256xf32>
    %add3A_134 = arith.addf %get3A_133, %mul3A_122 : vector<256x256xf32>
    %get3A_135 = arith.constant 1 : index
    %get3A_136 = arith.constant 0 : index
    %get3A_137 = arith.constant 0 : index
    %get3A_138 = vector.load %arg2[%get3A_135, %get3A_136, %get3A_137] : memref<6x256x256xf32, #tpu.memory_space<vmem>>, vector<1x256x256xf32>
    %get3A_139 = vector.shape_cast %get3A_138 : vector<1x256x256xf32> to vector<256x256xf32>
    %add3A_140 = arith.addf %get3A_139, %mul3A_122 : vector<256x256xf32>
    %get3A_141 = arith.constant 0 : index
    %get3A_142 = arith.constant 1 : index
    %get3A_143 = arith.constant 0 : index
    %get3A_144 = vector.load %arg4[%get3A_141, %get3A_142, %get3A_143] : memref<12x6x256xf32, #tpu.memory_space<vmem>>, vector<12x1x256xf32>
    %get3A_145 = vector.shape_cast %get3A_144 : vector<12x1x256xf32> to vector<12x256xf32>
    %dot_general3A_146 = arith.constant dense<0.000000e+00> : vector<12x256xf32>
    %dot_general3A_147 = tpu.matmul %get3A_145, %add3A_128, %dot_general3A_146 {dimension_numbers = #tpu.dot_dimension_numbers<[1], [0], [0], [1], [0, 0, 1, 1], [], []>, transpose_lhs_hint = false} : vector<12x256xf32>, vector<256x256xf32>, vector<12x256xf32> -> vector<12x256xf32>
    %div3A_148 = vector.broadcast %add3A_16 : vector<1x256xf32> to vector<12x256xf32>
    %div3A_149 = arith.divf %dot_general3A_147, %div3A_148 : vector<12x256xf32>
    %dot_general3A_150 = arith.constant dense<0.000000e+00> : vector<12x256xf32>
    %dot_general3A_151 = tpu.matmul %div3A_149, %add3A_134, %dot_general3A_150 {dimension_numbers = #tpu.dot_dimension_numbers<[1], [0], [0], [1], [0, 0, 1, 1], [], []>, transpose_lhs_hint = false} : vector<12x256xf32>, vector<256x256xf32>, vector<12x256xf32> -> vector<12x256xf32>
    %mul3A_152 = vector.broadcast %add3A_34 : vector<1x256xf32> to vector<12x256xf32>
    %mul3A_153 = arith.mulf %dot_general3A_151, %mul3A_152 : vector<12x256xf32>
    %dot_general3A_154 = arith.constant dense<0.000000e+00> : vector<12x256xf32>
    %dot_general3A_155 = tpu.matmul %mul3A_153, %add3A_140, %dot_general3A_154 {dimension_numbers = #tpu.dot_dimension_numbers<[1], [0], [0], [1], [0, 0, 1, 1], [], []>, transpose_lhs_hint = false} : vector<12x256xf32>, vector<256x256xf32>, vector<12x256xf32> -> vector<12x256xf32>
    %div3A_156 = vector.broadcast %add3A_52 : vector<1x256xf32> to vector<12x256xf32>
    %div3A_157 = arith.divf %dot_general3A_155, %div3A_156 : vector<12x256xf32>
    %dot_general3A_158 = arith.constant dense<0.000000e+00> : vector<12x129xf32>
    %dot_general3A_159 = tpu.matmul %div3A_157, %get3A_55, %dot_general3A_158 {dimension_numbers = #tpu.dot_dimension_numbers<[1], [0], [0], [1], [0, 0, 1, 1], [], []>, transpose_lhs_hint = false} : vector<12x256xf32>, vector<256x129xf32>, vector<12x129xf32> -> vector<12x129xf32>
    %swap3A_160 = arith.constant 0 : index
    %swap3A_161 = arith.constant 1 : index
    %swap3A_162 = arith.constant 0 : index
    %swap3A_163 = vector.load %arg8[%swap3A_160, %swap3A_161, %swap3A_162] : memref<12x6x129xf32, #tpu.memory_space<vmem>>, vector<12x1x129xf32>
    %swap3A_164 = vector.shape_cast %swap3A_163 : vector<12x1x129xf32> to vector<12x129xf32>
    %swap3A_165 = vector.shape_cast %dot_general3A_159 : vector<12x129xf32> to vector<12x1x129xf32>
    tpu.vector_store %arg8[%swap3A_160, %swap3A_161, %swap3A_162], %swap3A_165 {strides = array<i32>} : memref<12x6x129xf32, #tpu.memory_space<vmem>>, vector<12x1x129xf32>,
    %dot_general3A_166 = arith.constant dense<0.000000e+00> : vector<12x129xf32>
    %dot_general3A_167 = tpu.matmul %div3A_157, %get3A_58, %dot_general3A_166 {dimension_numbers = #tpu.dot_dimension_numbers<[1], [0], [0], [1], [0, 0, 1, 1], [], []>, transpose_lhs_hint = false} : vector<12x256xf32>, vector<256x129xf32>, vector<12x129xf32> -> vector<12x129xf32>
    %swap3A_168 = arith.constant 0 : index
    %swap3A_169 = arith.constant 1 : index
    %swap3A_170 = arith.constant 0 : index
    %swap3A_171 = vector.load %arg9[%swap3A_168, %swap3A_169, %swap3A_170] : memref<12x6x129xf32, #tpu.memory_space<vmem>>, vector<12x1x129xf32>
    %swap3A_172 = vector.shape_cast %swap3A_171 : vector<12x1x129xf32> to vector<12x129xf32>
    %swap3A_173 = vector.shape_cast %dot_general3A_167 : vector<12x129xf32> to vector<12x1x129xf32>
    tpu.vector_store %arg9[%swap3A_168, %swap3A_169, %swap3A_170], %swap3A_173 {strides = array<i32>} : memref<12x6x129xf32, #tpu.memory_space<vmem>>, vector<12x1x129xf32>,
    %get3A_174 = arith.constant 2 : index
    %get3A_175 = arith.constant 0 : index
    %get3A_176 = arith.constant 0 : index
    %get3A_177 = vector.load %arg3[%get3A_174, %get3A_175, %get3A_176] : memref<6x256x256xf32, #tpu.memory_space<vmem>>, vector<1x256x256xf32>
    %get3A_178 = vector.shape_cast %get3A_177 : vector<1x256x256xf32> to vector<256x256xf32>
    %mul3A_179 = arith.constant 9.750000e-01 : f32
    %mul3A_180 = vector.broadcast %mul3A_179 : f32 to vector<256x256xf32>
    %mul3A_181 = arith.mulf %get3A_178, %mul3A_180 : vector<256x256xf32>
    %get3A_182 = arith.constant 2 : index
    %get3A_183 = arith.constant 0 : index
    %get3A_184 = arith.constant 0 : index
    %get3A_185 = vector.load %arg0[%get3A_182, %get3A_183, %get3A_184] : memref<6x256x256xf32, #tpu.memory_space<vmem>>, vector<1x256x256xf32>
    %get3A_186 = vector.shape_cast %get3A_185 : vector<1x256x256xf32> to vector<256x256xf32>
    %add3A_187 = arith.addf %get3A_186, %mul3A_181 : vector<256x256xf32>
    %get3A_188 = arith.constant 2 : index
    %get3A_189 = arith.constant 0 : index
    %get3A_190 = arith.constant 0 : index
    %get3A_191 = vector.load %arg1[%get3A_188, %get3A_189, %get3A_190] : memref<6x256x256xf32, #tpu.memory_space<vmem>>, vector<1x256x256xf32>
    %get3A_192 = vector.shape_cast %get3A_191 : vector<1x256x256xf32> to vector<256x256xf32>
    %add3A_193 = arith.addf %get3A_192, %mul3A_181 : vector<256x256xf32>
    %get3A_194 = arith.constant 2 : index
    %get3A_195 = arith.constant 0 : index
    %get3A_196 = arith.constant 0 : index
    %get3A_197 = vector.load %arg2[%get3A_194, %get3A_195, %get3A_196] : memref<6x256x256xf32, #tpu.memory_space<vmem>>, vector<1x256x256xf32>
    %get3A_198 = vector.shape_cast %get3A_197 : vector<1x256x256xf32> to vector<256x256xf32>
    %add3A_199 = arith.addf %get3A_198, %mul3A_181 : vector<256x256xf32>
    %get3A_200 = arith.constant 0 : index
    %get3A_201 = arith.constant 2 : index
    %get3A_202 = arith.constant 0 : index
    %get3A_203 = vector.load %arg4[%get3A_200, %get3A_201, %get3A_202] : memref<12x6x256xf32, #tpu.memory_space<vmem>>, vector<12x1x256xf32>
    %get3A_204 = vector.shape_cast %get3A_203 : vector<12x1x256xf32> to vector<12x256xf32>
    %dot_general3A_205 = arith.constant dense<0.000000e+00> : vector<12x256xf32>
    %dot_general3A_206 = tpu.matmul %get3A_204, %add3A_187, %dot_general3A_205 {dimension_numbers = #tpu.dot_dimension_numbers<[1], [0], [0], [1], [0, 0, 1, 1], [], []>, transpose_lhs_hint = false} : vector<12x256xf32>, vector<256x256xf32>, vector<12x256xf32> -> vector<12x256xf32>
    %div3A_207 = vector.broadcast %add3A_16 : vector<1x256xf32> to vector<12x256xf32>
    %div3A_208 = arith.divf %dot_general3A_206, %div3A_207 : vector<12x256xf32>
    %dot_general3A_209 = arith.constant dense<0.000000e+00> : vector<12x256xf32>
    %dot_general3A_210 = tpu.matmul %div3A_208, %add3A_193, %dot_general3A_209 {dimension_numbers = #tpu.dot_dimension_numbers<[1], [0], [0], [1], [0, 0, 1, 1], [], []>, transpose_lhs_hint = false} : vector<12x256xf32>, vector<256x256xf32>, vector<12x256xf32> -> vector<12x256xf32>
    %mul3A_211 = vector.broadcast %add3A_34 : vector<1x256xf32> to vector<12x256xf32>
    %mul3A_212 = arith.mulf %dot_general3A_210, %mul3A_211 : vector<12x256xf32>
    %dot_general3A_213 = arith.constant dense<0.000000e+00> : vector<12x256xf32>
    %dot_general3A_214 = tpu.matmul %mul3A_212, %add3A_199, %dot_general3A_213 {dimension_numbers = #tpu.dot_dimension_numbers<[1], [0], [0], [1], [0, 0, 1, 1], [], []>, transpose_lhs_hint = false} : vector<12x256xf32>, vector<256x256xf32>, vector<12x256xf32> -> vector<12x256xf32>
    %div3A_215 = vector.broadcast %add3A_52 : vector<1x256xf32> to vector<12x256xf32>
    %div3A_216 = arith.divf %dot_general3A_214, %div3A_215 : vector<12x256xf32>
    %dot_general3A_217 = arith.constant dense<0.000000e+00> : vector<12x129xf32>
    %dot_general3A_218 = tpu.matmul %div3A_216, %get3A_55, %dot_general3A_217 {dimension_numbers = #tpu.dot_dimension_numbers<[1], [0], [0], [1], [0, 0, 1, 1], [], []>, transpose_lhs_hint = false} : vector<12x256xf32>, vector<256x129xf32>, vector<12x129xf32> -> vector<12x129xf32>
    %swap3A_219 = arith.constant 0 : index
    %swap3A_220 = arith.constant 2 : index
    %swap3A_221 = arith.constant 0 : index
    %swap3A_222 = vector.load %arg8[%swap3A_219, %swap3A_220, %swap3A_221] : memref<12x6x129xf32, #tpu.memory_space<vmem>>, vector<12x1x129xf32>
    %swap3A_223 = vector.shape_cast %swap3A_222 : vector<12x1x129xf32> to vector<12x129xf32>
    %swap3A_224 = vector.shape_cast %dot_general3A_218 : vector<12x129xf32> to vector<12x1x129xf32>
    tpu.vector_store %arg8[%swap3A_219, %swap3A_220, %swap3A_221], %swap3A_224 {strides = array<i32>} : memref<12x6x129xf32, #tpu.memory_space<vmem>>, vector<12x1x129xf32>,
    %dot_general3A_225 = arith.constant dense<0.000000e+00> : vector<12x129xf32>
    %dot_general3A_226 = tpu.matmul %div3A_216, %get3A_58, %dot_general3A_225 {dimension_numbers = #tpu.dot_dimension_numbers<[1], [0], [0], [1], [0, 0, 1, 1], [], []>, transpose_lhs_hint = false} : vector<12x256xf32>, vector<256x129xf32>, vector<12x129xf32> -> vector<12x129xf32>
    %swap3A_227 = arith.constant 0 : index
    %swap3A_228 = arith.constant 2 : index
    %swap3A_229 = arith.constant 0 : index
    %swap3A_230 = vector.load %arg9[%swap3A_227, %swap3A_228, %swap3A_229] : memref<12x6x129xf32, #tpu.memory_space<vmem>>, vector<12x1x129xf32>
    %swap3A_231 = vector.shape_cast %swap3A_230 : vector<12x1x129xf32> to vector<12x129xf32>
    %swap3A_232 = vector.shape_cast %dot_general3A_226 : vector<12x129xf32> to vector<12x1x129xf32>
    tpu.vector_store %arg9[%swap3A_227, %swap3A_228, %swap3A_229], %swap3A_232 {strides = array<i32>} : memref<12x6x129xf32, #tpu.memory_space<vmem>>, vector<12x1x129xf32>,
    %get3A_233 = arith.constant 3 : index
    %get3A_234 = arith.constant 0 : index
    %get3A_235 = arith.constant 0 : index
    %get3A_236 = vector.load %arg3[%get3A_233, %get3A_234, %get3A_235] : memref<6x256x256xf32, #tpu.memory_space<vmem>>, vector<1x256x256xf32>
    %get3A_237 = vector.shape_cast %get3A_236 : vector<1x256x256xf32> to vector<256x256xf32>
    %mul3A_238 = arith.constant 9.750000e-01 : f32
    %mul3A_239 = vector.broadcast %mul3A_238 : f32 to vector<256x256xf32>
    %mul3A_240 = arith.mulf %get3A_237, %mul3A_239 : vector<256x256xf32>
    %get3A_241 = arith.constant 3 : index
    %get3A_242 = arith.constant 0 : index
    %get3A_243 = arith.constant 0 : index
    %get3A_244 = vector.load %arg0[%get3A_241, %get3A_242, %get3A_243] : memref<6x256x256xf32, #tpu.memory_space<vmem>>, vector<1x256x256xf32>
    %get3A_245 = vector.shape_cast %get3A_244 : vector<1x256x256xf32> to vector<256x256xf32>
    %add3A_246 = arith.addf %get3A_245, %mul3A_240 : vector<256x256xf32>
    %get3A_247 = arith.constant 3 : index
    %get3A_248 = arith.constant 0 : index
    %get3A_249 = arith.constant 0 : index
    %get3A_250 = vector.load %arg1[%get3A_247, %get3A_248, %get3A_249] : memref<6x256x256xf32, #tpu.memory_space<vmem>>, vector<1x256x256xf32>
    %get3A_251 = vector.shape_cast %get3A_250 : vector<1x256x256xf32> to vector<256x256xf32>
    %add3A_252 = arith.addf %get3A_251, %mul3A_240 : vector<256x256xf32>
    %get3A_253 = arith.constant 3 : index
    %get3A_254 = arith.constant 0 : index
    %get3A_255 = arith.constant 0 : index
    %get3A_256 = vector.load %arg2[%get3A_253, %get3A_254, %get3A_255] : memref<6x256x256xf32, #tpu.memory_space<vmem>>, vector<1x256x256xf32>
    %get3A_257 = vector.shape_cast %get3A_256 : vector<1x256x256xf32> to vector<256x256xf32>
    %add3A_258 = arith.addf %get3A_257, %mul3A_240 : vector<256x256xf32>
    %get3A_259 = arith.constant 0 : index
    %get3A_260 = arith.constant 3 : index
    %get3A_261 = arith.constant 0 : index
    %get3A_262 = vector.load %arg4[%get3A_259, %get3A_260, %get3A_261] : memref<12x6x256xf32, #tpu.memory_space<vmem>>, vector<12x1x256xf32>
    %get3A_263 = vector.shape_cast %get3A_262 : vector<12x1x256xf32> to vector<12x256xf32>
    %dot_general3A_264 = arith.constant dense<0.000000e+00> : vector<12x256xf32>
    %dot_general3A_265 = tpu.matmul %get3A_263, %add3A_246, %dot_general3A_264 {dimension_numbers = #tpu.dot_dimension_numbers<[1], [0], [0], [1], [0, 0, 1, 1], [], []>, transpose_lhs_hint = false} : vector<12x256xf32>, vector<256x256xf32>, vector<12x256xf32> -> vector<12x256xf32>
    %div3A_266 = vector.broadcast %add3A_16 : vector<1x256xf32> to vector<12x256xf32>
    %div3A_267 = arith.divf %dot_general3A_265, %div3A_266 : vector<12x256xf32>
    %dot_general3A_268 = arith.constant dense<0.000000e+00> : vector<12x256xf32>
    %dot_general3A_269 = tpu.matmul %div3A_267, %add3A_252, %dot_general3A_268 {dimension_numbers = #tpu.dot_dimension_numbers<[1], [0], [0], [1], [0, 0, 1, 1], [], []>, transpose_lhs_hint = false} : vector<12x256xf32>, vector<256x256xf32>, vector<12x256xf32> -> vector<12x256xf32>
    %mul3A_270 = vector.broadcast %add3A_34 : vector<1x256xf32> to vector<12x256xf32>
    %mul3A_271 = arith.mulf %dot_general3A_269, %mul3A_270 : vector<12x256xf32>
    %dot_general3A_272 = arith.constant dense<0.000000e+00> : vector<12x256xf32>
    %dot_general3A_273 = tpu.matmul %mul3A_271, %add3A_258, %dot_general3A_272 {dimension_numbers = #tpu.dot_dimension_numbers<[1], [0], [0], [1], [0, 0, 1, 1], [], []>, transpose_lhs_hint = false} : vector<12x256xf32>, vector<256x256xf32>, vector<12x256xf32> -> vector<12x256xf32>
    %div3A_274 = vector.broadcast %add3A_52 : vector<1x256xf32> to vector<12x256xf32>
    %div3A_275 = arith.divf %dot_general3A_273, %div3A_274 : vector<12x256xf32>
    %dot_general3A_276 = arith.constant dense<0.000000e+00> : vector<12x129xf32>
    %dot_general3A_277 = tpu.matmul %div3A_275, %get3A_55, %dot_general3A_276 {dimension_numbers = #tpu.dot_dimension_numbers<[1], [0], [0], [1], [0, 0, 1, 1], [], []>, transpose_lhs_hint = false} : vector<12x256xf32>, vector<256x129xf32>, vector<12x129xf32> -> vector<12x129xf32>
    %swap3A_278 = arith.constant 0 : index
    %swap3A_279 = arith.constant 3 : index
    %swap3A_280 = arith.constant 0 : index
    %swap3A_281 = vector.load %arg8[%swap3A_278, %swap3A_279, %swap3A_280] : memref<12x6x129xf32, #tpu.memory_space<vmem>>, vector<12x1x129xf32>
    %swap3A_282 = vector.shape_cast %swap3A_281 : vector<12x1x129xf32> to vector<12x129xf32>
    %swap3A_283 = vector.shape_cast %dot_general3A_277 : vector<12x129xf32> to vector<12x1x129xf32>
    tpu.vector_store %arg8[%swap3A_278, %swap3A_279, %swap3A_280], %swap3A_283 {strides = array<i32>} : memref<12x6x129xf32, #tpu.memory_space<vmem>>, vector<12x1x129xf32>,
    %dot_general3A_284 = arith.constant dense<0.000000e+00> : vector<12x129xf32>
    %dot_general3A_285 = tpu.matmul %div3A_275, %get3A_58, %dot_general3A_284 {dimension_numbers = #tpu.dot_dimension_numbers<[1], [0], [0], [1], [0, 0, 1, 1], [], []>, transpose_lhs_hint = false} : vector<12x256xf32>, vector<256x129xf32>, vector<12x129xf32> -> vector<12x129xf32>
    %swap3A_286 = arith.constant 0 : index
    %swap3A_287 = arith.constant 3 : index
    %swap3A_288 = arith.constant 0 : index
    %swap3A_289 = vector.load %arg9[%swap3A_286, %swap3A_287, %swap3A_288] : memref<12x6x129xf32, #tpu.memory_space<vmem>>, vector<12x1x129xf32>
    %swap3A_290 = vector.shape_cast %swap3A_289 : vector<12x1x129xf32> to vector<12x129xf32>
    %swap3A_291 = vector.shape_cast %dot_general3A_285 : vector<12x129xf32> to vector<12x1x129xf32>
    tpu.vector_store %arg9[%swap3A_286, %swap3A_287, %swap3A_288], %swap3A_291 {strides = array<i32>} : memref<12x6x129xf32, #tpu.memory_space<vmem>>, vector<12x1x129xf32>,
    %get3A_292 = arith.constant 4 : index
    %get3A_293 = arith.constant 0 : index
    %get3A_294 = arith.constant 0 : index
    %get3A_295 = vector.load %arg3[%get3A_292, %get3A_293, %get3A_294] : memref<6x256x256xf32, #tpu.memory_space<vmem>>, vector<1x256x256xf32>
    %get3A_296 = vector.shape_cast %get3A_295 : vector<1x256x256xf32> to vector<256x256xf32>
    %mul3A_297 = arith.constant 9.750000e-01 : f32
    %mul3A_298 = vector.broadcast %mul3A_297 : f32 to vector<256x256xf32>
    %mul3A_299 = arith.mulf %get3A_296, %mul3A_298 : vector<256x256xf32>
    %get3A_300 = arith.constant 4 : index
    %get3A_301 = arith.constant 0 : index
    %get3A_302 = arith.constant 0 : index
    %get3A_303 = vector.load %arg0[%get3A_300, %get3A_301, %get3A_302] : memref<6x256x256xf32, #tpu.memory_space<vmem>>, vector<1x256x256xf32>
    %get3A_304 = vector.shape_cast %get3A_303 : vector<1x256x256xf32> to vector<256x256xf32>
    %add3A_305 = arith.addf %get3A_304, %mul3A_299 : vector<256x256xf32>
    %get3A_306 = arith.constant 4 : index
    %get3A_307 = arith.constant 0 : index
    %get3A_308 = arith.constant 0 : index
    %get3A_309 = vector.load %arg1[%get3A_306, %get3A_307, %get3A_308] : memref<6x256x256xf32, #tpu.memory_space<vmem>>, vector<1x256x256xf32>
    %get3A_310 = vector.shape_cast %get3A_309 : vector<1x256x256xf32> to vector<256x256xf32>
    %add3A_311 = arith.addf %get3A_310, %mul3A_299 : vector<256x256xf32>
    %get3A_312 = arith.constant 4 : index
    %get3A_313 = arith.constant 0 : index
    %get3A_314 = arith.constant 0 : index
    %get3A_315 = vector.load %arg2[%get3A_312, %get3A_313, %get3A_314] : memref<6x256x256xf32, #tpu.memory_space<vmem>>, vector<1x256x256xf32>
    %get3A_316 = vector.shape_cast %get3A_315 : vector<1x256x256xf32> to vector<256x256xf32>
    %add3A_317 = arith.addf %get3A_316, %mul3A_299 : vector<256x256xf32>
    %get3A_318 = arith.constant 0 : index
    %get3A_319 = arith.constant 4 : index
    %get3A_320 = arith.constant 0 : index
    %get3A_321 = vector.load %arg4[%get3A_318, %get3A_319, %get3A_320] : memref<12x6x256xf32, #tpu.memory_space<vmem>>, vector<12x1x256xf32>
    %get3A_322 = vector.shape_cast %get3A_321 : vector<12x1x256xf32> to vector<12x256xf32>
    %dot_general3A_323 = arith.constant dense<0.000000e+00> : vector<12x256xf32>
    %dot_general3A_324 = tpu.matmul %get3A_322, %add3A_305, %dot_general3A_323 {dimension_numbers = #tpu.dot_dimension_numbers<[1], [0], [0], [1], [0, 0, 1, 1], [], []>, transpose_lhs_hint = false} : vector<12x256xf32>, vector<256x256xf32>, vector<12x256xf32> -> vector<12x256xf32>
    %div3A_325 = vector.broadcast %add3A_16 : vector<1x256xf32> to vector<12x256xf32>
    %div3A_326 = arith.divf %dot_general3A_324, %div3A_325 : vector<12x256xf32>
    %dot_general3A_327 = arith.constant dense<0.000000e+00> : vector<12x256xf32>
    %dot_general3A_328 = tpu.matmul %div3A_326, %add3A_311, %dot_general3A_327 {dimension_numbers = #tpu.dot_dimension_numbers<[1], [0], [0], [1], [0, 0, 1, 1], [], []>, transpose_lhs_hint = false} : vector<12x256xf32>, vector<256x256xf32>, vector<12x256xf32> -> vector<12x256xf32>
    %mul3A_329 = vector.broadcast %add3A_34 : vector<1x256xf32> to vector<12x256xf32>
    %mul3A_330 = arith.mulf %dot_general3A_328, %mul3A_329 : vector<12x256xf32>
    %dot_general3A_331 = arith.constant dense<0.000000e+00> : vector<12x256xf32>
    %dot_general3A_332 = tpu.matmul %mul3A_330, %add3A_317, %dot_general3A_331 {dimension_numbers = #tpu.dot_dimension_numbers<[1], [0], [0], [1], [0, 0, 1, 1], [], []>, transpose_lhs_hint = false} : vector<12x256xf32>, vector<256x256xf32>, vector<12x256xf32> -> vector<12x256xf32>
    %div3A_333 = vector.broadcast %add3A_52 : vector<1x256xf32> to vector<12x256xf32>
    %div3A_334 = arith.divf %dot_general3A_332, %div3A_333 : vector<12x256xf32>
    %dot_general3A_335 = arith.constant dense<0.000000e+00> : vector<12x129xf32>
    %dot_general3A_336 = tpu.matmul %div3A_334, %get3A_55, %dot_general3A_335 {dimension_numbers = #tpu.dot_dimension_numbers<[1], [0], [0], [1], [0, 0, 1, 1], [], []>, transpose_lhs_hint = false} : vector<12x256xf32>, vector<256x129xf32>, vector<12x129xf32> -> vector<12x129xf32>
    %swap3A_337 = arith.constant 0 : index
    %swap3A_338 = arith.constant 4 : index
    %swap3A_339 = arith.constant 0 : index
    %swap3A_340 = vector.load %arg8[%swap3A_337, %swap3A_338, %swap3A_339] : memref<12x6x129xf32, #tpu.memory_space<vmem>>, vector<12x1x129xf32>
    %swap3A_341 = vector.shape_cast %swap3A_340 : vector<12x1x129xf32> to vector<12x129xf32>
    %swap3A_342 = vector.shape_cast %dot_general3A_336 : vector<12x129xf32> to vector<12x1x129xf32>
    tpu.vector_store %arg8[%swap3A_337, %swap3A_338, %swap3A_339], %swap3A_342 {strides = array<i32>} : memref<12x6x129xf32, #tpu.memory_space<vmem>>, vector<12x1x129xf32>,
    %dot_general3A_343 = arith.constant dense<0.000000e+00> : vector<12x129xf32>
    %dot_general3A_344 = tpu.matmul %div3A_334, %get3A_58, %dot_general3A_343 {dimension_numbers = #tpu.dot_dimension_numbers<[1], [0], [0], [1], [0, 0, 1, 1], [], []>, transpose_lhs_hint = false} : vector<12x256xf32>, vector<256x129xf32>, vector<12x129xf32> -> vector<12x129xf32>
    %swap3A_345 = arith.constant 0 : index
    %swap3A_346 = arith.constant 4 : index
    %swap3A_347 = arith.constant 0 : index
    %swap3A_348 = vector.load %arg9[%swap3A_345, %swap3A_346, %swap3A_347] : memref<12x6x129xf32, #tpu.memory_space<vmem>>, vector<12x1x129xf32>
    %swap3A_349 = vector.shape_cast %swap3A_348 : vector<12x1x129xf32> to vector<12x129xf32>
    %swap3A_350 = vector.shape_cast %dot_general3A_344 : vector<12x129xf32> to vector<12x1x129xf32>
    tpu.vector_store %arg9[%swap3A_345, %swap3A_346, %swap3A_347], %swap3A_350 {strides = array<i32>} : memref<12x6x129xf32, #tpu.memory_space<vmem>>, vector<12x1x129xf32>,
    %get3A_351 = arith.constant 5 : index
    %get3A_352 = arith.constant 0 : index
    %get3A_353 = arith.constant 0 : index
    %get3A_354 = vector.load %arg3[%get3A_351, %get3A_352, %get3A_353] : memref<6x256x256xf32, #tpu.memory_space<vmem>>, vector<1x256x256xf32>
    %get3A_355 = vector.shape_cast %get3A_354 : vector<1x256x256xf32> to vector<256x256xf32>
    %mul3A_356 = arith.constant 9.750000e-01 : f32
    %mul3A_357 = vector.broadcast %mul3A_356 : f32 to vector<256x256xf32>
    %mul3A_358 = arith.mulf %get3A_355, %mul3A_357 : vector<256x256xf32>
    %get3A_359 = arith.constant 5 : index
    %get3A_360 = arith.constant 0 : index
    %get3A_361 = arith.constant 0 : index
    %get3A_362 = vector.load %arg0[%get3A_359, %get3A_360, %get3A_361] : memref<6x256x256xf32, #tpu.memory_space<vmem>>, vector<1x256x256xf32>
    %get3A_363 = vector.shape_cast %get3A_362 : vector<1x256x256xf32> to vector<256x256xf32>
    %add3A_364 = arith.addf %get3A_363, %mul3A_358 : vector<256x256xf32>
    %get3A_365 = arith.constant 5 : index
    %get3A_366 = arith.constant 0 : index
    %get3A_367 = arith.constant 0 : index
    %get3A_368 = vector.load %arg1[%get3A_365, %get3A_366, %get3A_367] : memref<6x256x256xf32, #tpu.memory_space<vmem>>, vector<1x256x256xf32>
    %get3A_369 = vector.shape_cast %get3A_368 : vector<1x256x256xf32> to vector<256x256xf32>
    %add3A_370 = arith.addf %get3A_369, %mul3A_358 : vector<256x256xf32>
    %get3A_371 = arith.constant 5 : index
    %get3A_372 = arith.constant 0 : index
    %get3A_373 = arith.constant 0 : index
    %get3A_374 = vector.load %arg2[%get3A_371, %get3A_372, %get3A_373] : memref<6x256x256xf32, #tpu.memory_space<vmem>>, vector<1x256x256xf32>
    %get3A_375 = vector.shape_cast %get3A_374 : vector<1x256x256xf32> to vector<256x256xf32>
    %add3A_376 = arith.addf %get3A_375, %mul3A_358 : vector<256x256xf32>
    %get3A_377 = arith.constant 0 : index
    %get3A_378 = arith.constant 5 : index
    %get3A_379 = arith.constant 0 : index
    %get3A_380 = vector.load %arg4[%get3A_377, %get3A_378, %get3A_379] : memref<12x6x256xf32, #tpu.memory_space<vmem>>, vector<12x1x256xf32>
    %get3A_381 = vector.shape_cast %get3A_380 : vector<12x1x256xf32> to vector<12x256xf32>
    %dot_general3A_382 = arith.constant dense<0.000000e+00> : vector<12x256xf32>
    %dot_general3A_383 = tpu.matmul %get3A_381, %add3A_364, %dot_general3A_382 {dimension_numbers = #tpu.dot_dimension_numbers<[1], [0], [0], [1], [0, 0, 1, 1], [], []>, transpose_lhs_hint = false} : vector<12x256xf32>, vector<256x256xf32>, vector<12x256xf32> -> vector<12x256xf32>
    %div3A_384 = vector.broadcast %add3A_16 : vector<1x256xf32> to vector<12x256xf32>
    %div3A_385 = arith.divf %dot_general3A_383, %div3A_384 : vector<12x256xf32>
    %dot_general3A_386 = arith.constant dense<0.000000e+00> : vector<12x256xf32>
    %dot_general3A_387 = tpu.matmul %div3A_385, %add3A_370, %dot_general3A_386 {dimension_numbers = #tpu.dot_dimension_numbers<[1], [0], [0], [1], [0, 0, 1, 1], [], []>, transpose_lhs_hint = false} : vector<12x256xf32>, vector<256x256xf32>, vector<12x256xf32> -> vector<12x256xf32>
    %mul3A_388 = vector.broadcast %add3A_34 : vector<1x256xf32> to vector<12x256xf32>
    %mul3A_389 = arith.mulf %dot_general3A_387, %mul3A_388 : vector<12x256xf32>
    %dot_general3A_390 = arith.constant dense<0.000000e+00> : vector<12x256xf32>
    %dot_general3A_391 = tpu.matmul %mul3A_389, %add3A_376, %dot_general3A_390 {dimension_numbers = #tpu.dot_dimension_numbers<[1], [0], [0], [1], [0, 0, 1, 1], [], []>, transpose_lhs_hint = false} : vector<12x256xf32>, vector<256x256xf32>, vector<12x256xf32> -> vector<12x256xf32>
    %div3A_392 = vector.broadcast %add3A_52 : vector<1x256xf32> to vector<12x256xf32>
    %div3A_393 = arith.divf %dot_general3A_391, %div3A_392 : vector<12x256xf32>
    %dot_general3A_394 = arith.constant dense<0.000000e+00> : vector<12x129xf32>
    %dot_general3A_395 = tpu.matmul %div3A_393, %get3A_55, %dot_general3A_394 {dimension_numbers = #tpu.dot_dimension_numbers<[1], [0], [0], [1], [0, 0, 1, 1], [], []>, transpose_lhs_hint = false} : vector<12x256xf32>, vector<256x129xf32>, vector<12x129xf32> -> vector<12x129xf32>
    %swap3A_396 = arith.constant 0 : index
    %swap3A_397 = arith.constant 5 : index
    %swap3A_398 = arith.constant 0 : index
    %swap3A_399 = vector.load %arg8[%swap3A_396, %swap3A_397, %swap3A_398] : memref<12x6x129xf32, #tpu.memory_space<vmem>>, vector<12x1x129xf32>
    %swap3A_400 = vector.shape_cast %swap3A_399 : vector<12x1x129xf32> to vector<12x129xf32>
    %swap3A_401 = vector.shape_cast %dot_general3A_395 : vector<12x129xf32> to vector<12x1x129xf32>
    tpu.vector_store %arg8[%swap3A_396, %swap3A_397, %swap3A_398], %swap3A_401 {strides = array<i32>} : memref<12x6x129xf32, #tpu.memory_space<vmem>>, vector<12x1x129xf32>,
    %dot_general3A_402 = arith.constant dense<0.000000e+00> : vector<12x129xf32>
    %dot_general3A_403 = tpu.matmul %div3A_393, %get3A_58, %dot_general3A_402 {dimension_numbers = #tpu.dot_dimension_numbers<[1], [0], [0], [1], [0, 0, 1, 1], [], []>, transpose_lhs_hint = false} : vector<12x256xf32>, vector<256x129xf32>, vector<12x129xf32> -> vector<12x129xf32>
    %swap3A_404 = arith.constant 0 : index
    %swap3A_405 = arith.constant 5 : index
    %swap3A_406 = arith.constant 0 : index
    %swap3A_407 = vector.load %arg9[%swap3A_404, %swap3A_405, %swap3A_406] : memref<12x6x129xf32, #tpu.memory_space<vmem>>, vector<12x1x129xf32>
    %swap3A_408 = vector.shape_cast %swap3A_407 : vector<12x1x129xf32> to vector<12x129xf32>
    %swap3A_409 = vector.shape_cast %dot_general3A_403 : vector<12x129xf32> to vector<12x1x129xf32>
    tpu.vector_store %arg9[%swap3A_404, %swap3A_405, %swap3A_406], %swap3A_409 {strides = array<i32>} : memref<12x6x129xf32, #tpu.memory_space<vmem>>, vector<12x1x129xf32>,
    return
  }
}

</mosaic_0001>

<sc_bundles>
// kernel: kernel.4.cloned.1.call-start
scs
__scs_entry_jumppad:
0x0: {  	(pc) =	sbr.rel $0x88, $3  }
0x1: {  	(tag) =	ssettag $0x0;
	lr =	simm.s32 $0x1  }
0x2: {  	[smem:$0x3F91] =	sst lr;
	_ =	strace $0xD0000000  }
0x3: {  	_ = 	snop  }
0x4: {  	_ = 	snop  }
0x5: {  	_ = 	snop  }
0x6: {  	_ = 	snop  }
0x7: {  	_ = 	snop  }
__scs_overlays_trampoline_lowered:
0x8: {  	[smem:$0x3FA0] =	sst s0  }
0x9: {  	[smem:$0x3FA1] =	sst s1  }
0xa: {  	[smem:$0x3FA2] =	sst s2  }
0xb: {  	[smem:$0x3FA3] =	sst s3  }
0xc: {  	[smem:$0x3FA4] =	sst s4  }
0xd: {  	[smem:$0x3FA5] =	sst s5  }
0xe: {  	[smem:$0x3FA6] =	sst s6  }
0xf: {  	[smem:$0x3FA7] =	sst s7  }
0x10: {  	[smem:$0x3FA8] =	sst s8  }
0x11: {  	[smem:$0x3FA9] =	sst s9;
	s0 =	simm.s32 @!p0 $0x0  }
0x12: {  	s1 =	sld [smem:$0x3F8F];
	s0 =	simm.s32 @p0 $0x1  }
0x13: {  	[smem:$0x3FAA] =	sst s0;
	s0 =	simm.s32 @!p1 $0x0  }
0x14: {  	s2 =	sld [smem:$0x3F8E];
	s0 =	simm.s32 @p1 $0x1  }
0x15: {  	[smem:$0x3FAB] =	sst s0;
	s0 =	simm.s32 @!p2 $0x0  }
0x16: {  	s3 =	sld [smem:$0x3FDB];
	s0 =	simm.s32 @p2 $0x1  }
0x17: {  	s4 =	simm.s32 $0x1BF5;
	[smem:$0x3FAD] =	sst s0  }
0x18: {  	s0 =	sld [smem:$0x3F90];
	_ =	swait.ge [sflag:s4], $0x0  }
0x19: {  	s7 =	sld [smem:$0x3F91]  }
0x1a: {  	s8 =	sadd.s32 $0xFFFFE003, lr  }
0x1b: {  	s9 =	sadd.s32 $0xFFFFFEF7, lr;
	s5 =	simm.s32 $0xFFFFFFFF;
	p2 =	slt.u32 s8, $0xFFFFF086  }
0x1c: {  	p1 =	slt.u32 s9, $0xF7A;
	s5 =	simm.s32 @!p2 $0x0  }
0x1d: {  	s5 =	simm.s32 @p1 $0x1;
	p0 =	seq.s32 s7, s2  }
0x1e: {  	s7 =	smul.u32 @!p0 $0xF7A, s2;
	p2 =	seq.s32 @!p0 s5, $0x0  }
0x1f: {  	s9 =	smul.u32 $0xF7A, s1;
	s8 =	simm.s32 @!p0 $0x1BF5;
	p2 =	por !p2, p0  }
0x20: {  	[sflag:s8] =	ssyncset.s32 @!p0 $0xFFFFF086;
	s6 =	sadd.s32 @!p0 s3, s7;
	s7 =	simm.s32 @!p0 $0x108  }
0x21: {  	s3 =	sadd.s32 s3, s9;
	s6 =	sadd.s32 @!p0 $0x88, s6;
	s7 =	simm.s32 @p2 $0x1082  }
0x22: {  	[simem:s7], [sflag:s8] =	dma.local @!p0 [hbm:s6], $0xF7A  }
0x23: {  	s9 =	sor.u32 $0xD0000000, s2;
	s6 =	simm.s32 $0x108;
	_ =	swait.ge @!p0 [sflag:s8], $0x0  }
0x24: {  	s3 =	sadd.s32 $0x88, s3;
	s6 =	simm.s32 @!p1 $0x1082;
	[sflag:s4] =	ssyncset.s32 $0xFFFFF086  }
0x25: {  	[simem:s6], [sflag:s4] =	dma.local [hbm:s3], $0xF7A  }
0x26: {  	[smem:$0x3F91] =	sst s1;
	(tag) =	ssettag s2;
	_ =	strace s9  }
0x27: {  	s1 =	sld [smem:$0x3FA1]  }
0x28: {  	s2 =	sld [smem:$0x3FA2]  }
0x29: {  	s4 =	sld [smem:$0x3FA4]  }
0x2a: {  	p0 =	seq.s32 s5, $0x0;
	s5 =	sld [smem:$0x3FA5]  }
0x2b: {  	s6 =	sld [smem:$0x3FA6]  }
0x2c: {  	s7 =	sld [smem:$0x3FA7]  }
0x2d: {  	s3 =	simm.s32 $0x108;
	s8 =	sld [smem:$0x3FA8]  }
0x2e: {  	s3 =	simm.s32 @!p0 $0x1082;
	s9 =	sld [smem:$0x3FA9]  }
0x2f: {  	lr =	sadd.s32 s0, s3;
	s0 =	sld [smem:$0x3FA0]  }
0x30: {  	s3 =	sld [smem:$0x3FA3]  }
0x31: {  	[smem:$0x3FAC] =	sst s10  }
0x32: {  	s10 =	sld [smem:$0x3FAA];
	_ =	sdelay $0x3  }
0x33: {  	p0 =	seq.s32 s10, $0x1;
	s10 =	sld [smem:$0x3FAC];
	_ =	sdelay $0x3  }
0x34: {  	[smem:$0x3FAC] =	sst s10  }
0x35: {  	s10 =	sld [smem:$0x3FAB];
	_ =	sdelay $0x3  }
0x36: {  	p1 =	seq.s32 s10, $0x1;
	s10 =	sld [smem:$0x3FAC];
	_ =	sdelay $0x3  }
0x37: {  	[smem:$0x3FAC] =	sst s10  }
0x38: {  	s10 =	sld [smem:$0x3FAD]  }
0x39: {  	_ = 	snop;
	(pc) =	sbr.ind lr, $3  }
0x3a: {  	_ = 	snop  }
0x3b: {  	_ = 	snop  }
0x3c: {  	p2 =	seq.s32 s10, $0x1;
	s10 =	sld [smem:$0x3FAC]  }
0x3d: {  	_ =	shalt  }
0x3e: {  	_ =	shalt  }
0x3f: {  	_ =	shalt  }
0x40: {  	_ =	shalt  }
0x41: {  	_ =	shalt  }
0x42: {  	_ =	shalt  }
0x43: {  	_ =	shalt  }
0x44: {  	_ =	shalt  }
0x45: {  	_ =	shalt  }
0x46: {  	_ =	shalt  }
0x47: {  	_ =	shalt  }
0x48: {  	_ =	shalt  }
0x49: {  	_ =	shalt  }
0x4a: {  	_ =	shalt  }
0x4b: {  	_ =	shalt  }
0x4c: {  	_ =	shalt  }
0x4d: {  	_ =	shalt  }
0x4e: {  	_ =	shalt  }
0x4f: {  	_ =	shalt  }
0x50: {  	_ =	shalt  }
0x51: {  	_ =	shalt  }
0x52: {  	_ =	shalt  }
0x53: {  	_ =	shalt  }
0x54: {  	_ =	shalt  }
0x55: {  	_ =	shalt  }
0x56: {  	_ =	shalt  }
0x57: {  	_ =	shalt  }
0x58: {  	_ =	shalt  }
0x59: {  	_ =	shalt  }
0x5a: {  	_ =	shalt  }
0x5b: {  	_ =	shalt  }
0x5c: {  	_ =	shalt  }
0x5d: {  	_ =	shalt  }
0x5e: {  	_ =	shalt  }
0x5f: {  	_ =	shalt  }
0x60: {  	_ =	shalt  }
0x61: {  	_ =	shalt  }
0x62: {  	_ =	shalt  }
0x63: {  	_ =	shalt  }
0x64: {  	_ =	shalt  }
0x65: {  	_ =	shalt  }
0x66: {  	_ =	shalt  }
0x67: {  	_ =	shalt  }
0x68: {  	_ =	shalt  }
0x69: {  	_ =	shalt  }
0x6a: {  	_ =	shalt  }
0x6b: {  	_ =	shalt  }
0x6c: {  	_ =	shalt  }
0x6d: {  	_ =	shalt  }
0x6e: {  	_ =	shalt  }
0x6f: {  	_ =	shalt  }
0x70: {  	_ =	shalt  }
0x71: {  	_ =	shalt  }
0x72: {  	_ =	shalt  }
0x73: {  	_ =	shalt  }
0x74: {  	_ =	shalt  }
0x75: {  	_ =	shalt  }
0x76: {  	_ =	shalt  }
0x77: {  	_ =	shalt  }
0x78: {  	_ =	shalt  }
0x79: {  	_ =	shalt  }
0x7a: {  	_ =	shalt  }
0x7b: {  	_ =	shalt  }
0x7c: {  	_ =	shalt  }
0x7d: {  	_ =	shalt  }
0x7e: {  	_ =	shalt  }
0x7f: {  	_ =	shalt  }
0x80: {  	_ =	shalt  }
0x81: {  	_ =	shalt  }
0x82: {  	_ =	shalt  }
0x83: {  	_ =	shalt  }
0x84: {  	_ =	shalt  }
0x85: {  	_ =	shalt  }
0x86: {  	_ =	shalt  }
0x87: {  	_ =	shalt  }
.Lfunc_end0:
.L_simem_size_0:
called_computation_lowered:
.L_overlay_start_0:
0x88: {  	s2 =	sld [smem:$0x3FD9]  }
0x89: {  	s3 =	sld [smem:$0x3FFE];
	_ =	sdelay $0x1  }
0x8a: {  	s1 =	srdreg.scid  }
0x8b: {  	s0 =	sand.u32 $0x1, s1  }
0x8c: {  	s17 =	sshll.u32 s0, $0xA;
	s2 =	sadd.s32 s3, s2  }
0x8d: {  	s2 =	sadd.s32 s2, s17  }
0x8e: {  	[smem:$0x3FB8] =	sst s2  }
0x8f: {  	_ = 	snop  }
0x90: {  	s2 =	sld [smem:$0x3FC5]  }
0x91: {  	s18 =	sld [smem:$0x3FC4]  }
0x92: {  	s4 =	sld [smem:$0x3FC3]  }
0x93: {  	s5 =	sld [smem:$0x3FC2]  }
0x94: {  	s6 =	sld [smem:$0x3FD0];
	(tm) =	ssettm $0x1  }
0x95: {  	s7 =	sld [smem:$0x3FFB];
	_ =	sdelay $0x3  }
0x96: {  	_ =	strace s7  }
0x97: {  	s7 =	sld [smem:$0x3FFC];
	_ =	sdelay $0x3  }
0x98: {  	_ =	strace s7  }
0x99: {  	s7 =	sld [smem:$0x3FFD];
	_ =	sdelay $0x3  }
0x9a: {  	_ =	strace s7  }
0x9b: {  	_ =	strace $0x8FFFFFFF  }
0x9c: {  	s19 =	sld [smem:$0x3FDB];
	_ =	sdelay $0x1  }
0x9d: {  	s8 =	simm.s32 $_scs_section_size  }
0x9e: {  	s9 =	simm.s32 $_size__tile_overlayer_lowered;
	s10 =	simm.s32 $_tile_overlayer_lowered  }
0x9f: {  	s22 =	simm.s32 $0x1BFF;
	s21 =	sshll.u32 s10, $0x1;
	s7 =	sadd.s32 s8, s19  }
0xa0: {  	s11 =	simm.s32 $0x0;
	s20 =	sshll.u32 s9, $0x1;
	s9 =	sadd.s32 s21, s7  }
0xa1: {  	[timem:s11], [sflag:s22] =	dma.local [hbm:s9], s20  }
0xa2: {  	_ =	swait.ge [sflag:s22], s20  }
0xa3: {  	s8 =	ssub.s32 $0x0, s20;
	[sflag:s22] =	ssyncset.done $0x0  }
0xa4: {  	[sflag:s22] =	ssyncadd.s32 s8;
	_ =	sdelay $0x1  }
0xa5: {  	s23 =	simm.s32 $0x1B8B  }
0xa6: {  	_ =	swait.ge [sflag:s23], $0x1  }
0xa7: {  	[sflag:s23] =	ssyncset.done $0x0  }
0xa8: {  	s25 =	simm.s32 $0x1B8E;
	s24 =	sld [smem:$0x3FFE];
	[sflag:s23] =	ssyncadd.s32 $0xFFFFFFFF  }
0xa9: {  	s26 =	simm.s32 $execute0_lowered;
	[smem:$0x3FD2] =	sst s25  }
0xaa: {  	s9 =	sshll.u32 s26, $0x1;
	_ =	strace $0x80000046;
	[dreg:$0x1] =	wrdreg $0xFFFFFFFF  }
0xab: {  	s28 =	simm.s32 $_size_execute0_lowered;
	s7 =	sadd.s32 s7, s9;
	[dreg:$0x0] =	wrdreg $0x0  }
0xac: {  	s9 =	sshll.u32 s28, $0x1;
	[dreg:$0x2] =	wrdreg s7  }
0xad: {  	[dreg:$0x3] =	wrdreg s9  }
0xae: {  	[dreg:$0x4] =	wrdreg $0xC0  }
0xaf: {  	_ =	task [dreg:s11], $0x5FFFF  }
0xb0: {  	[dreg:$0x1] =	wrdreg $0xFFFFFFFF  }
0xb1: {  	[dreg:$0x0] =	wrdreg $0x60  }
0xb2: {  	[dreg:$0x2] =	wrdreg s2  }
0xb3: {  	[dreg:$0x3] =	wrdreg s18  }
0xb4: {  	[dreg:$0x4] =	wrdreg s4  }
0xb5: {  	[dreg:$0x5] =	wrdreg s5  }
0xb6: {  	[dreg:$0x6] =	wrdreg s6  }
0xb7: {  	[dreg:$0x7] =	wrdreg s24  }
0xb8: {  	[dreg:$0x8] =	wrdreg $0x9  }
0xb9: {  	_ =	task.clear_ibuf [dreg:s11], $0x9FFFF;
	_ =	strace $0x90000046  }
0xba: {  	s29 =	simm.s32 $0x9;
	_ =	strace $0x80000048  }
0xbb: {  	_ =	swait.ge [sflag:s29], $0x1  }
0xbc: {  	[sflag:s29] =	ssyncadd.s32 $0xFFFFFFFF  }
0xbd: {  	_ =	strace $0x90000048  }
0xbe: {  	_ =	sfence  }
0xbf: {  	s30 =	sld [smem:$0x0];
	_ =	sdelay $0x2  }
0xc0: {  	s31 =	sshll.u32 s1, $0xD;
	s1 =	sshrl.u32 s1, $0x2  }
0xc1: {  	s3 =	sand.u32 $0x4000, s31;
	s1 =	sadd.s32 s1, s30  }
0xc2: {  	s0 =	sor.u32 s3, s0;
	s1 =	sshll.u32 s1, $0x11  }
0xc3: {  	s0 =	sor.u32 s1, s0  }
0xc4: {  	s0 =	sadd.s32 $0x8F2B, s0  }
0xc5: {  	[sflag:s0] =	ssyncadd.remote.s32 $0x1  }
0xc6: {  	_ =	sfence.sel $0xFFFF  }
0xc7: {  	[dreg:$0x0] =	wrdreg $0xFFFFFFFF;
	(pc) =	sbr.abs _section_cstart, $3  }
0xc8: {  	[dreg:$0x1] =	wrdreg $0xFFFFFFFF  }
0xc9: {  	_ =	task.clear_ibuf [dreg:s11], $0x2FFFF;
	_ =	strace $0x9FFFFFFF  }
0xca: {  	(tm) =	ssettm $0x7FFFFFFF  }
0xcb: {  	_ =	shalt  }
tec
execute0_lowered:
.L_overlay_start_1:
0x0: {  	(tag) =	ssettag $0x1  }
0x1: {  	s0 =	rddreg [dreg:$0x0]  }
0x2: {  	s1 =	rddreg [dreg:$0x1]  }
0x3: {  	s3 =	rddreg [dreg:$0x2]  }
0x4: {  	s4 =	rddreg [dreg:$0x3]  }
0x5: {  	s6 =	rddreg [dreg:$0x4];
	s2 =	srdreg.scid  }
0x6: {  	s7 =	stileid.u32;
	s5 =	rddreg [dreg:$0x5];
	s15 =	simm.s32 $0x3000  }
0x7: {  	s16 =	simm.s32 $0x6000;
	s19 =	simm.s32 $0xE000;
	s20 =	simm.s32 $0xF000  }
0x8: {  	s21 =	simm.s32 $0x9000;
	s22 =	simm.s32 $0x3;
	s23 =	simm.s32 $0x80  }
0x9: {  	v0 =	vimm.s32 $0xFFEDCBA9;
	v1 =	vimm.s32 $0x87654321;
	s24 =	simm.s32 $0x4;
	s2 =	sand.u32 $0x1, s2;
	s8 =	sshll.u32 s7, $0x1  }
0xa: {  	s25 =	simm.s32 $0x0;
	s7 =	simm.s32 $0x0;
	v0 =	vunpack.c.l.s4.s8 v0;
	v1 =	vunpack.c.l.s4.s8 v1;
	s8 =	sor.u32 s2, s8  }
0xb: {  	s9 =	sadd.s32 $0x2200, s5;
	[smem:$0x7FF] =	sst s7;
	s17 =	smul.u32 $0x3000, s8  }
.Ltmp0:
0xc: {  	s2 =	ssub.s32 $0x2, s2;
	_ =	strace $0x80000047;
	v2 =	vunpack.c.0.s8.s32 v0;
	v3 =	vunpack.c.0.s8.s32 v1;
	(pc) =	sbr.rel .LBB2_1-.Ltmp0, $4  }
0xd: {  	s8 =	sadd.s32 $0x1600, s5;
	s31 =	sshrl.u32 s2, $0x1;
	s10 =	sshrl.u32 s17, $0x3  }
0xe: {  	v4 =	vlaneseq.u32;
	vm0 =	vcmask $0x3F3C;
	s2 =	ssub.s32 s2, s31;
	s18 =	sadd.s32 $0x3000, s17;
	v6 =	vcombine.low v3, v2;
	s5 =	sadd.s32 s10, s5  }
0xf: {  	v5 =	vor.u32 $0x80000000, v4;
	s14 =	smax.u32 s2, $0x1;
	v0 =	vmov s17;
	v1 =	vmov s18;
	s18 =	simm.s32 $0xD000;
	s10 =	sadd.s32 $0x2E00, s5  }
0x10: {  	v2 =	vimm.s32 $0xFFFFFFFF;
	v3 =	vimm.s32 $0x0;
	s11 =	sadd.s32 $0xEE00, s5;
	s12 =	sadd.s32 $0x1AE00, s5;
	s13 =	sadd.s32 $0x26E00, s5;
	v6 =	vand.u32 $0xF, v6  }
.LBB2_18:
0x11: {  	_ =	sdelay $0x4  }
0x12: {  	[tilespmem:v8+s16+$0x0] =	vst.idx.msk vm1, v9  }
.LBB2_19:
0x13: {  	[hbm4b:s11+s7] =	stream.linear.scatter [tilespmem:s7], [sflag:$0x4], $0x3000, $0x38;
	[tilespmem:$0x1F280] =	vst v63  }
0x14: {  	_ =	swait.ge [sflag:s24], $0x3000  }
0x15: {  	[sflag:s24] =	ssyncset.done $0x0  }
0x16: {  	[sflag:s24] =	ssyncadd.s32 $0xFFFFD000  }
0x17: {  	[hbm4b:s12+s7] =	stream.linear.scatter [tilespmem:s15], [sflag:$0x4], $0x3000, $0x38;
	[tilespmem:$0x1F280] =	vst v63  }
0x18: {  	s25 =	sadd.s32 $0x1, s25;
	_ =	swait.ge [sflag:s24], $0x3000  }
0x19: {  	p0 =	sne.s32 s25, s14;
	[sflag:s24] =	ssyncset.done $0x0  }
.Ltmp1:
0x1a: {  	[sflag:s24] =	ssyncadd.s32 $0xFFFFD000;
	(pc) =	sbr.rel @!p0 .LBB2_20-.Ltmp1, $4  }
0x1b: {  	[hbm4b:s13+s7] =	stream.linear.scatter [tilespmem:s16], [sflag:$0x4], $0x3000, $0x38;
	[tilespmem:$0x1F280] =	vst v63  }
0x1c: {  	_ =	swait.ge [sflag:s24], $0x3000  }
0x1d: {  	[sflag:s24] =	ssyncset.done $0x0  }
0x1e: {  	[sflag:s24] =	ssyncadd.s32 $0xFFFFD000  }
.LBB2_1:
0x1f: {  	[tilespmem:s7], [sflag:$0x3] =	stream.linear.gather [hbm4b:s10+s7], $0x3000, $0x38;
	[tilespmem:$0x1F280] =	vst v63  }
0x20: {  	_ = 	snop  }
0x21: {  	[tilespmem:s15], [sflag:$0x3] =	stream.linear.gather [hbm4b:s10+s7], $0x3000, $0x38;
	[tilespmem:$0x1F280] =	vst v63  }
0x22: {  	s5 =	simm.s32 $0x9040  }
0x23: {  	[tilespmem:s16], [sflag:$0x3] =	stream.linear.gather [hbm4b:s10+s7], $0x3000, $0x38;
	[tilespmem:$0x1F280] =	vst v63  }
0x24: {  	s2 =	simm.s32 $0x130C0;
	[tilespmem:s5+$0xFFFFFFC0] =	vst v2  }
0x25: {  	[tilespmem:s2+$0xFFFFFFC0] =	vst v3  }
0x26: {  	[tilespmem:s5+$0xFFFFFFD0] =	vst v2  }
0x27: {  	[tilespmem:s2+$0xFFFFFFD0] =	vst v3  }
0x28: {  	[tilespmem:s5+$0xFFFFFFE0] =	vst v2  }
0x29: {  	[tilespmem:s2+$0xFFFFFFE0] =	vst v3  }
0x2a: {  	[tilespmem:s5+$0xFFFFFFF0] =	vst v2  }
0x2b: {  	[tilespmem:s2+$0xFFFFFFF0] =	vst v3  }
0x2c: {  	[tilespmem:s5+$0x0] =	vst v2  }
0x2d: {  	[tilespmem:s2+$0x0] =	vst v3  }
0x2e: {  	[tilespmem:s5+$0x10] =	vst v2  }
0x2f: {  	[tilespmem:s2+$0x10] =	vst v3  }
0x30: {  	[tilespmem:s5+$0x20] =	vst v2  }
0x31: {  	[tilespmem:s2+$0x20] =	vst v3  }
0x32: {  	[tilespmem:s5+$0x30] =	vst v2  }
0x33: {  	s17 =	simm.s32 $0x90C0;
	s5 =	simm.s32 $0x0;
	[tilespmem:s2+$0x30] =	vst v3  }
.LBB2_2:
0x34: {  	[tilespmem:s17+$0xFFFFFFC0] =	vst v2;
	s2 =	sadd.s32 $0x80, s2  }
0x35: {  	[tilespmem:s2+$0xFFFFFFC0] =	vst v3  }
0x36: {  	[tilespmem:s17+$0xFFFFFFD0] =	vst v2  }
0x37: {  	[tilespmem:s2+$0xFFFFFFD0] =	vst v3  }
0x38: {  	[tilespmem:s17+$0xFFFFFFE0] =	vst v2  }
0x39: {  	[tilespmem:s2+$0xFFFFFFE0] =	vst v3  }
0x3a: {  	[tilespmem:s17+$0xFFFFFFF0] =	vst v2  }
0x3b: {  	[tilespmem:s2+$0xFFFFFFF0] =	vst v3  }
0x3c: {  	[tilespmem:s17+$0x0] =	vst v2  }
0x3d: {  	s5 =	sadd.s32 $0x8, s5;
	[tilespmem:s2+$0x0] =	vst v3  }
0x3e: {  	p0 =	slt.u32 s5, $0x2F8;
	[tilespmem:s17+$0x10] =	vst v2  }
.Ltmp2:
0x3f: {  	[tilespmem:s2+$0x10] =	vst v3;
	(pc) =	sbr.rel @p0 .LBB2_2-.Ltmp2, $4  }
0x40: {  	[tilespmem:s17+$0x20] =	vst v2  }
0x41: {  	[tilespmem:s2+$0x20] =	vst v3  }
0x42: {  	[tilespmem:s17+$0x30] =	vst v2  }
0x43: {  	s17 =	sadd.s32 $0x80, s17;
	[tilespmem:s2+$0x30] =	vst v3  }
0x44: {  	[tilespmem:$0x16080] =	vst v3;
	s26 =	simm.s32 $0x0;
	s2 =	simm.s32 $0xC000  }
0x45: {  	[tilespmem:s2], [sflag:$0x1] =	stream.linear.gather [hbm4b:s0+s26], $0x800, $0x38;
	[tilespmem:$0x1F280] =	vst v63  }
0x46: {  	_ = 	snop  }
0x47: {  	[tilespmem:s18], [sflag:$0x1] =	stream.linear.gather [hbm4b:s1+s26], $0x800, $0x38;
	[tilespmem:$0x1F280] =	vst v63  }
0x48: {  	_ = 	snop  }
0x49: {  	[tilespmem:s19], [sflag:$0x1] =	stream.linear.gather [hbm4b:s3+s26], $0x800, $0x38;
	[tilespmem:$0x1F280] =	vst v63  }
0x4a: {  	p0 =	por $0x0, $0x0  }
0x4b: {  	[tilespmem:s20], [sflag:$0x1] =	stream.linear.gather [hbm4b:s4+s26], $0x800, $0x38;
	[tilespmem:$0x1F280] =	vst v63  }
.LBB2_4:
0x4c: {  	s5 =	sand.u32 $0x1, s26  }
0x4d: {  	s5 =	sadd.s32 $0x1, s5  }
0x4e: {  	_ =	swait.ge [sflag:s5], $0x800  }
0x4f: {  	[sflag:s5] =	ssyncset.done $0x0  }
0x50: {  	[sflag:s5] =	ssyncadd.s32 $0xFFFFF800  }
0x51: {  	_ =	swait.ge [sflag:s5], $0x800  }
0x52: {  	[sflag:s5] =	ssyncset.done $0x0  }
0x53: {  	[sflag:s5] =	ssyncadd.s32 $0xFFFFF800  }
0x54: {  	_ =	swait.ge [sflag:s5], $0x800  }
0x55: {  	[sflag:s5] =	ssyncset.done $0x0  }
0x56: {  	[sflag:s5] =	ssyncadd.s32 $0xFFFFF800  }
0x57: {  	s2 =	smov.u32 s26;
	_ =	swait.ge [sflag:s5], $0x800  }
0x58: {  	s26 =	sadd.s32 $0x1, s26;
	p1 =	seq.s32 s2, $0x1F;
	[sflag:s5] =	ssyncset.done $0x0  }
0x59: {  	s2 =	simm.s32 $0x1;
	[sflag:s5] =	ssyncadd.s32 $0xFFFFF800;
	s5 =	sand.u32 @!p1 $0x1, s26  }
0x5a: {  	s29 =	sshll.u32 @!p1 s26, $0x8;
	s31 =	simm.s32 @!p1 $0x0;
	s28 =	sshll.u32 @!p1 s5, $0xB  }
0x5b: {  	s30 =	sadd.s32 @!p1 s0, s29;
	s17 =	sadd.s32 @!p1 $0x1, s5;
	s5 =	sor.u32 @!p1 $0xC000, s28  }
0x5c: {  	[tilespmem:s5], [sflag:s17] =	stream.linear.gather @!p1 [hbm4b:s30+s31], $0x800, $0x38;
	[tilespmem:$0x1F280] =	vst v63  }
0x5d: {  	s2 =	simm.s32 @!p0 $0x0;
	s5 =	sor.u32 @!p1 $0xD000, s28;
	s30 =	sadd.s32 @!p1 s1, s29  }
0x5e: {  	[tilespmem:s5], [sflag:s17] =	stream.linear.gather @!p1 [hbm4b:s30+s31], $0x800, $0x38;
	[tilespmem:$0x1F280] =	vst v63  }
0x5f: {  	s2 =	sshll.u32 s2, $0xB;
	s5 =	sor.u32 @!p1 $0xE000, s28;
	s30 =	sadd.s32 @!p1 s3, s29  }
0x60: {  	[tilespmem:s5], [sflag:s17] =	stream.linear.gather @!p1 [hbm4b:s30+s31], $0x800, $0x38;
	[tilespmem:$0x1F280] =	vst v63  }
0x61: {  	s28 =	sor.u32 @!p1 $0xF000, s28;
	s29 =	sadd.s32 @!p1 s4, s29;
	s5 =	sor.u32 $0xC020, s2  }
0x62: {  	[tilespmem:s28], [sflag:s17] =	stream.linear.gather @!p1 [hbm4b:s29+s31], $0x800, $0x38;
	[tilespmem:$0x1F280] =	vst v63  }
0x63: {  	s28 =	sor.u32 $0xE020, s2;
	v7 =	vld [tilespmem:s5+$0x10]  }
0x64: {  	v8 =	vld [tilespmem:s28+$0x10]  }
0x65: {  	s17 =	sor.u32 $0xF020, s2  }
0x66: {  	v9 =	vld [tilespmem:s17+$0x10]  }
0x67: {  	v10 =	vld [tilespmem:s28+$0xFFFFFFE0]  }
0x68: {  	s2 =	sor.u32 $0xD020, s2;
	v11 =	vld [tilespmem:s5+$0xFFFFFFF0]  }
0x69: {  	v12 =	vld [tilespmem:s2+$0x10];
	v13 =	vshll.u32 v7, $0x10;
	v8 =	vshll.u32 v8, $0x8  }
0x6a: {  	v14 =	vld [tilespmem:s28+$0xFFFFFFF0];
	v8 =	vadd.s32 v13, v8  }
0x6b: {  	v8 =	vadd.s32 v9, v8;
	v9 =	vld [tilespmem:s5+$0xFFFFFFE0]  }
0x6c: {  	v15 =	vld [tilespmem:s17+$0xFFFFFFF0];
	vm1 =	vge.s32 v8, v0;
	vm2 =	vlt.s32 v8, v1;
	v8 =	vshll.u32 v8, $0x4  }
0x6d: {  	v7 =	vshll.u32 v7, $0xC;
	v13 =	vld [tilespmem:s17+$0xFFFFFFE0];
	vm1 =	vmand vm1, vm2;
	v8 =	vxor.u32 v5, v8  }
0x6e: {  	v7 =	vadd.s32 v12, v7;
	v8 =	vnsel vm1, $0xFFFFFFFF, v8  }
0x6f: {  	v10 =	vshll.u32 v10, $0x8;
	(xrf1) =	vsort.ascd.msk.u32 $0xffff, v8, v7  }
0x70: {  	v7 =	vshll.u32 v11, $0x10;
	v8 =	vshll.u32 v14, $0x8;
	v14 =	vld [tilespmem:s2+$0xFFFFFFE0];
	v12 =	vshll.u32 v9, $0x10  }
0x71: {  	v11 =	vshll.u32 v11, $0xC;
	v7 =	vadd.s32 v7, v8;
	v8 =	vadd.s32 v12, v10;
	v10 =	vld [tilespmem:s2+$0xFFFFFFF0]  }
0x72: {  	v9 =	vshll.u32 v9, $0xC;
	v7 =	vadd.s32 v15, v7;
	v12 =	vld [tilespmem:s5+$0x0];
	v8 =	vadd.s32 v13, v8  }
0x73: {  	v13 =	vld [tilespmem:s28+$0x0];
	vm3 =	vge.s32 v7, v0;
	vm4 =	vlt.s32 v7, v1;
	v7 =	vshll.u32 v7, $0x4  }
0x74: {  	vm1 =	vge.s32 v8, v0;
	vm2 =	vlt.s32 v8, v1;
	v8 =	vshll.u32 v8, $0x4  }
0x75: {  	v15 =	vld [tilespmem:s17+$0x0];
	v7 =	vxor.u32 v5, v7;
	vm1 =	vmand vm1, vm2;
	v8 =	vxor.u32 v5, v8  }
0x76: {  	vm2 =	vmand vm3, vm4;
	v9 =	vadd.s32 v14, v9;
	v8 =	vnsel vm1, $0xFFFFFFFF, v8  }
0x77: {  	v7 =	vnsel vm2, $0xFFFFFFFF, v7;
	v10 =	vadd.s32 v10, v11;
	(xrf1) =	vsort.ascd.msk.u32 $0xffff, v8, v9  }
0x78: {  	v9 =	vld [tilespmem:s2+$0x0];
	(xrf1) =	vsort.ascd.msk.u32 $0xffff, v7, v10;
	v7 =	vshll.u32 v12, $0x10;
	v8 =	vshll.u32 v13, $0x8  }
0x79: {  	v7 =	vadd.s32 v7, v8  }
0x7a: {  	s30 =	sadd.s32 $0x40, s2;
	v7 =	vadd.s32 v15, v7  }
0x7b: {  	s29 =	sadd.s32 $0x40, s17;
	v17 =	vld [tilespmem:s30+$0x10];
	vm1 =	vge.s32 v7, v0;
	vm2 =	vlt.s32 v7, v1;
	v7 =	vshll.u32 v7, $0x4  }
0x7c: {  	v24 =	vld [tilespmem:s29+$0xFFFFFFE0];
	s5 =	sadd.s32 $0x40, s5;
	v8 =	vshll.u32 v12, $0xC;
	vm1 =	vmand vm1, vm2;
	v7 =	vxor.u32 v5, v7  }
0x7d: {  	s28 =	sadd.s32 $0x40, s28;
	v12 =	vld [tilespmem:s5+$0x10];
	v8 =	vadd.s32 v9, v8;
	v7 =	vnsel vm1, $0xFFFFFFFF, v7;
	v10, v11, _ =	vpop (xrf1)  }
0x7e: {  	(xrf1) =	vsort.ascd.msk.u32 $0xffff, v7, v8;
	v8 =	vld [tilespmem:s28+$0x10];
	v9 =	vxor.u32 $0x80000000, v10  }
0x7f: {  	v61 =	vld [tilespmem:s30+$0xFFFFFFE0];
	v7 =	vperm.xlane v9, v6  }
0x80: {  	v14 =	vld [tilespmem:s29+$0x10]  }
0x81: {  	v62 =	vld [tilespmem:s30+$0xFFFFFFF0];
	vm2 =	vne.s32 v10, $0xFFFFFFFF;
	v9 =	vshra.s32 v9, $0x4;
	v7 =	vshra.s32 v7, $0x4  }
0x82: {  	v28 =	vld [tilespmem:s30+$0x0];
	v10 =	vshll.u32 v12, $0x10;
	vm1 =	vne.s32 v9, v7;
	v7 =	vsub.s32 v9, v0  }
0x83: {  	v18 =	vld [tilespmem:s5+$0x0];
	v8 =	vshll.u32 v8, $0x8;
	vm1 =	vmor vm1, vm0;
	v7 =	vshll.u32 v7, $0xF  }
0x84: {  	v23 =	vld [tilespmem:s5+$0xFFFFFFE0];
	v19 =	vadd.s32 v10, v8;
	vm1 =	vmand vm2, vm1;
	v7 =	vor.u32 v11, v7  }
0x85: {  	v21 =	vld [tilespmem:s28+$0x0];
	v14 =	vadd.s32 v14, v19;
	v16 =	vnsel vm1, $0xFFFFFFFF, v7  }
0x86: {  	v13 =	vld [tilespmem:s28+$0xFFFFFFE0];
	vm1 =	vge.s32 v14, v0;
	vm2 =	vlt.s32 v14, v1;
	v14 =	vshll.u32 v14, $0x4  }
0x87: {  	v15 =	vld [tilespmem:s5+$0xFFFFFFF0];
	v12 =	vshll.u32 v12, $0xC;
	vm1 =	vmand vm1, vm2;
	v14 =	vxor.u32 v5, v14  }
0x88: {  	v12 =	vadd.s32 v17, v12;
	v17 =	vld [tilespmem:s29+$0x0];
	v14 =	vnsel vm1, $0xFFFFFFFF, v14;
	v9, v7, _ =	vpop (xrf1)  }
0x89: {  	v27 =	vshll.u32 v18, $0x10;
	v57 =	vshll.u32 v23, $0x10;
	v23 =	vshll.u32 v23, $0xC;
	v10, v8, _ =	vpop (xrf1);
	(xrf1) =	vsort.ascd.msk.u32 $0xffff, v14, v12  }
0x8a: {  	v18 =	vshll.u32 v18, $0xC;
	v21 =	vshll.u32 v21, $0x8;
	v23 =	vadd.s32 v61, v23  }
0x8b: {  	v18 =	vadd.s32 v28, v18;
	v21 =	vadd.s32 v27, v21;
	v13 =	vshll.u32 v13, $0x8;
	v11 =	vld [tilespmem:s28+$0xFFFFFFF0]  }
0x8c: {  	v13 =	vadd.s32 v57, v13;
	v26 =	vshll.u32 v15, $0x10;
	v15 =	vshll.u32 v15, $0xC  }
0x8d: {  	v25 =	vld [tilespmem:s29+$0xFFFFFFF0];
	v13 =	vadd.s32 v24, v13;
	v15 =	vadd.s32 v62, v15;
	v17 =	vadd.s32 v17, v21  }
0x8e: {  	vm5 =	vge.s32 v17, v0;
	vm2 =	vlt.s32 v13, v1;
	vm1 =	vge.s32 v13, v0  }
0x8f: {  	v13 =	vshll.u32 v13, $0x4;
	vm1 =	vmand vm1, vm2;
	vm2 =	vlt.s32 v17, v1  }
0x90: {  	v13 =	vxor.u32 v5, v13;
	v17 =	vshll.u32 v17, $0x4;
	v11 =	vshll.u32 v11, $0x8  }
0x91: {  	v20 =	vxor.u32 $0x80000000, v9;
	vm2 =	vmand vm5, vm2;
	v14 =	vadd.s32 v26, v11  }
0x92: {  	v29 =	vnsel vm1, $0xFFFFFFFF, v13;
	v13 =	vxor.u32 v5, v17;
	v14 =	vadd.s32 v25, v14  }
0x93: {  	vm3 =	vge.s32 v14, v0;
	vm4 =	vlt.s32 v14, v1;
	v14 =	vshll.u32 v14, $0x4  }
0x94: {  	v19 =	vperm.xlane v20, v6;
	v22 =	vxor.u32 $0x80000000, v10;
	v14 =	vxor.u32 v5, v14  }
0x95: {  	v63 =	vnsel vm2, $0xFFFFFFFF, v13;
	v20 =	vshra.s32 v20, $0x4;
	v58 =	vperm.xlane v22, v6  }
0x96: {  	v22 =	vshra.s32 v22, $0x4;
	v17 =	vshra.s32 v19, $0x4;
	v12, v11, _ =	vpop (xrf1);
	vm3 =	vmand vm3, vm4  }
0x97: {  	vm1 =	vne.s32 v20, v17;
	v59 =	vxor.u32 $0x80000000, v12;
	v30 =	vnsel vm3, $0xFFFFFFFF, v14;
	v14, v13, _ =	vpop (xrf1);
	(xrf1) =	vsort.ascd.msk.u32 $0xffff, v29, v23  }
0x98: {  	v19 =	vshra.s32 v58, $0x4;
	v20 =	vsub.s32 v20, v0;
	v60 =	vperm.xlane v59, v6;
	(xrf1) =	vsort.ascd.msk.u32 $0xffff, v30, v15  }
0x99: {  	vm2 =	vne.s32 v22, v19;
	v22 =	vsub.s32 v22, v0;
	(xrf1) =	vsort.ascd.msk.u32 $0xffff, v63, v18  }
0x9a: {  	s31 =	simm.s32 $0x16120;
	v17 =	vshra.s32 v59, $0x4;
	v24 =	vshra.s32 v60, $0x4;
	v19 =	vxor.u32 $0x80000000, v14  }
0x9b: {  	[tilespmem:s31+$0x10] =	vst v16;
	vm3 =	vmor vm1, vm0;
	vm4 =	vne.s32 v17, v24;
	v16 =	vperm.xlane v19, v6  }
0x9c: {  	vm2 =	vmor vm2, vm0;
	v17 =	vsub.s32 v17, v0;
	vm1 =	vmor vm4, vm0  }
0x9d: {  	v15 =	vshll.u32 v20, $0xF;
	v19 =	vshra.s32 v19, $0x4;
	v16 =	vshra.s32 v16, $0x4  }
0x9e: {  	s17 =	sadd.s32 $0x40, s5;
	s2 =	simm.s32 $0x4;
	s5 =	simm.s32 $0x16120;
	v18 =	vsub.s32 v19, v0;
	vm4 =	vne.s32 v19, v16;
	v16 =	vshll.u32 v22, $0xF  }
.LBB2_5:
0x9f: {  	v19 =	vld [tilespmem:s17+$0x10];
	vm4 =	vmor vm4, vm0;
	vm5 =	vne.s32 v14, $0xFFFFFFFF;
	v14 =	vshll.u32 v18, $0xF;
	s28 =	sadd.s32 $0x40, s28  }
0xa0: {  	s2 =	sadd.s32 $0x4, s2;
	v18 =	vld [tilespmem:s28+$0x10];
	vm4 =	vmand vm5, vm4;
	v13 =	vor.u32 v13, v14;
	v14 =	vshll.u32 v17, $0xF  }
0xa1: {  	s29 =	sadd.s32 $0x40, s29;
	s31 =	sadd.s32 $0x40, s31;
	p1 =	slt.u32 s2, $0x7C;
	vm5 =	vne.s32 v10, $0xFFFFFFFF;
	v17 =	vld [tilespmem:s28+$0xFFFFFFE0];
	v13 =	vnsel vm4, $0xFFFFFFFF, v13;
	vm4 =	vne.s32 v9, $0xFFFFFFFF  }
0xa2: {  	vm2 =	vmand vm5, vm2;
	v20 =	vld [tilespmem:s29+$0x10];
	[tilespmem:s31+$0x10] =	vst v13;
	vm3 =	vmand vm4, vm3;
	vm4 =	vne.s32 v12, $0xFFFFFFFF  }
0xa3: {  	v21 =	vor.u32 v7, v15;
	v24 =	vor.u32 v8, v16;
	v13 =	vld [tilespmem:s17+$0xFFFFFFF0];
	vm1 =	vmand vm4, vm1  }
0xa4: {  	s30 =	sadd.s32 $0x40, s30;
	v22 =	vor.u32 v11, v14;
	v12 =	vnsel vm2, $0xFFFFFFFF, v24;
	v23 =	vnsel vm3, $0xFFFFFFFF, v21;
	v15 =	vld [tilespmem:s28+$0xFFFFFFF0]  }
0xa5: {  	v26 =	vshll.u32 v19, $0x10;
	v14 =	vld [tilespmem:s30+$0x10];
	v16 =	vshll.u32 v18, $0x8;
	v9, v7, _ =	vpop (xrf1);
	[tilespmem:s5+$0xFFFFFFE0] =	vst v23;
	v18 =	vnsel vm1, $0xFFFFFFFF, v22  }
0xa6: {  	v17 =	vshll.u32 v17, $0x8;
	v21 =	vld [tilespmem:s17+$0x0];
	v25 =	vadd.s32 v26, v16;
	v16 =	vxor.u32 $0x80000000, v9;
	v10, v8, _ =	vpop (xrf1);
	[tilespmem:s5+$0xFFFFFFF0] =	vst v12  }
0xa7: {  	v22 =	vld [tilespmem:s28+$0x0];
	v20 =	vadd.s32 v20, v25;
	v23 =	vperm.xlane v16, v6;
	v24 =	vxor.u32 $0x80000000, v10;
	v12, v11, _ =	vpop (xrf1);
	[tilespmem:s5+$0x0] =	vst v18;
	s5 =	smov.u32 s31  }
0xa8: {  	v18 =	vld [tilespmem:s17+$0xFFFFFFE0];
	vm1 =	vge.s32 v20, v0;
	vm2 =	vlt.s32 v20, v1;
	v20 =	vshll.u32 v20, $0x4  }
0xa9: {  	v19 =	vshll.u32 v19, $0xC;
	v25 =	vld [tilespmem:s29+$0xFFFFFFE0];
	vm1 =	vmand vm1, vm2;
	v20 =	vxor.u32 v5, v20  }
0xaa: {  	v27 =	vshll.u32 v13, $0x10;
	v26 =	vld [tilespmem:s29+$0xFFFFFFF0];
	v14 =	vadd.s32 v14, v19;
	v19 =	vnsel vm1, $0xFFFFFFFF, v20  }
0xab: {  	v13 =	vshll.u32 v13, $0xC;
	v15 =	vshll.u32 v15, $0x8;
	v20 =	vld [tilespmem:s29+$0x0];
	v28 =	vshll.u32 v21, $0x10;
	(xrf1) =	vsort.ascd.msk.u32 $0xffff, v19, v14  }
0xac: {  	v15 =	vadd.s32 v27, v15;
	v21 =	vshll.u32 v21, $0xC;
	v14 =	vld [tilespmem:s30+$0xFFFFFFE0];
	v19 =	vshll.u32 v22, $0x8  }
0xad: {  	v22 =	vshll.u32 v18, $0x10;
	v18 =	vshll.u32 v18, $0xC;
	v27 =	vld [tilespmem:s30+$0xFFFFFFF0];
	v19 =	vadd.s32 v28, v19  }
0xae: {  	v29 =	vxor.u32 $0x80000000, v12;
	v28 =	vperm.xlane v24, v6;
	v17 =	vadd.s32 v22, v17;
	v22 =	vld [tilespmem:s30+$0x0]  }
0xaf: {  	v17 =	vadd.s32 v25, v17;
	v15 =	vadd.s32 v26, v15;
	v25 =	vperm.xlane v29, v6  }
0xb0: {  	vm1 =	vge.s32 v17, v0;
	vm2 =	vlt.s32 v17, v1;
	v19 =	vadd.s32 v20, v19  }
0xb1: {  	v17 =	vshll.u32 v17, $0x4;
	vm3 =	vge.s32 v15, v0;
	vm4 =	vlt.s32 v15, v1  }
0xb2: {  	v15 =	vshll.u32 v15, $0x4;
	vm5 =	vge.s32 v19, v0;
	vm6 =	vlt.s32 v19, v1  }
0xb3: {  	vm1 =	vmand vm1, vm2;
	v17 =	vxor.u32 v5, v17;
	v19 =	vshll.u32 v19, $0x4  }
0xb4: {  	vm2 =	vmand vm3, vm4;
	v15 =	vxor.u32 v5, v15;
	vm3 =	vmand vm5, vm6  }
0xb5: {  	v17 =	vnsel vm1, $0xFFFFFFFF, v17;
	v15 =	vnsel vm2, $0xFFFFFFFF, v15;
	v19 =	vxor.u32 v5, v19  }
0xb6: {  	v14 =	vadd.s32 v14, v18;
	v26 =	vadd.s32 v27, v13;
	v18 =	vnsel vm3, $0xFFFFFFFF, v19  }
0xb7: {  	v20 =	vshra.s32 v28, $0x4;
	v19 =	vadd.s32 v22, v21;
	(xrf1) =	vsort.ascd.msk.u32 $0xffff, v17, v14;
	v17 =	vshra.s32 v23, $0x4  }
0xb8: {  	v21 =	vshra.s32 v25, $0x4;
	(xrf1) =	vsort.ascd.msk.u32 $0xffff, v15, v26;
	v15 =	vshra.s32 v16, $0x4;
	v16 =	vshra.s32 v24, $0x4  }
0xb9: {  	(xrf1) =	vsort.ascd.msk.u32 $0xffff, v18, v19;
	v14, v13, _ =	vpop (xrf1);
	vm1 =	vne.s32 v15, v17;
	vm2 =	vne.s32 v16, v20;
	v17 =	vshra.s32 v29, $0x4  }
.Ltmp3:
0xba: {  	v15 =	vsub.s32 v15, v0;
	v18 =	vxor.u32 $0x80000000, v14;
	vm4 =	vne.s32 v17, v21;
	(pc) =	sbr.rel @p1 .LBB2_5-.Ltmp3, $4  }
0xbb: {  	v16 =	vsub.s32 v16, v0;
	v17 =	vsub.s32 v17, v0;
	v19 =	vperm.xlane v18, v6  }
0xbc: {  	vm3 =	vmor vm1, vm0;
	vm2 =	vmor vm2, vm0;
	vm1 =	vmor vm4, vm0  }
0xbd: {  	v15 =	vshll.u32 v15, $0xF;
	v18 =	vshra.s32 v18, $0x4;
	v19 =	vshra.s32 v19, $0x4  }
0xbe: {  	s17 =	sadd.s32 $0x40, s17;
	v16 =	vshll.u32 v16, $0xF;
	vm4 =	vne.s32 v18, v19;
	v18 =	vsub.s32 v18, v0  }
0xbf: {  	_ = 	snop  }
0xc0: {  	vm4 =	vmor vm4, vm0;
	vm5 =	vne.s32 v14, $0xFFFFFFFF;
	v48 =	vshll.u32 v18, $0xF  }
0xc1: {  	v49 =	vshll.u32 v17, $0xF;
	vm8 =	vne.s32 v9, $0xFFFFFFFF;
	vm9 =	vne.s32 v10, $0xFFFFFFFF  }
0xc2: {  	vm10 =	vne.s32 v12, $0xFFFFFFFF;
	v7 =	vor.u32 v7, v15;
	v8 =	vor.u32 v8, v16  }
0xc3: {  	vm4 =	vmand vm5, vm4;
	v13 =	vor.u32 v13, v48;
	vm3 =	vmand vm8, vm3  }
0xc4: {  	v11 =	vor.u32 v11, v49;
	vm2 =	vmand vm9, vm2;
	vm1 =	vmand vm10, vm1  }
0xc5: {  	v13 =	vnsel vm4, $0xFFFFFFFF, v13;
	v7 =	vnsel vm3, $0xFFFFFFFF, v7;
	v8 =	vnsel vm2, $0xFFFFFFFF, v8;
	v50, v51, _ =	vpop (xrf1)  }
0xc6: {  	v11 =	vnsel vm1, $0xFFFFFFFF, v11;
	v52 =	vxor.u32 $0x80000000, v50;
	v54, v53, _ =	vpop (xrf1);
	vm13 =	vne.s32 v50, $0xFFFFFFFF  }
0xc7: {  	v55 =	vperm.xlane v52, v6;
	v19 =	vxor.u32 $0x80000000, v54;
	v57, v56, _ =	vpop (xrf1);
	v12 =	vshra.s32 v52, $0x4  }
0xc8: {  	vm14 =	vne.s32 v54, $0xFFFFFFFF;
	v20 =	vperm.xlane v19, v6;
	v21 =	vxor.u32 $0x80000000, v57  }
0xc9: {  	v19 =	vshra.s32 v19, $0x4;
	vm15 =	vne.s32 v57, $0xFFFFFFFF;
	v15 =	vshra.s32 v55, $0x4  }
0xca: {  	v58 =	vperm.xlane v21, v6;
	v59 =	vshra.s32 v21, $0x4;
	v60 =	vsub.s32 v19, v0  }
0xcb: {  	vm11 =	vne.s32 v12, v15;
	v20 =	vshra.s32 v20, $0x4;
	v12 =	vsub.s32 v12, v0  }
0xcc: {  	s17 =	sadd.s32 $0x40, s31;
	v61 =	vsub.s32 v59, v0;
	v62 =	vshll.u32 v60, $0xF;
	vm12 =	vne.s32 v19, v20  }
0xcd: {  	[tilespmem:s17+$0x10] =	vst v13;
	v15 =	vshra.s32 v58, $0x4;
	vm1 =	vmor vm11, vm0;
	v12 =	vshll.u32 v12, $0xF  }
0xce: {  	[tilespmem:s5+$0xFFFFFFE0] =	vst v7;
	v7 =	vshll.u32 v61, $0xF;
	v63 =	vor.u32 v53, v62;
	vm3 =	vne.s32 v59, v15  }
0xcf: {  	[tilespmem:s5+$0xFFFFFFF0] =	vst v8;
	vm2 =	vmor vm12, vm0;
	vm1 =	vmand vm13, vm1;
	v8 =	vor.u32 v51, v12  }
0xd0: {  	[tilespmem:s5+$0x0] =	vst v11;
	vm3 =	vmor vm3, vm0;
	vm2 =	vmand vm14, vm2;
	v8 =	vnsel vm1, $0xFFFFFFFF, v8  }
0xd1: {  	v7 =	vor.u32 v56, v7;
	vm1 =	vmand vm15, vm3;
	v9 =	vnsel vm2, $0xFFFFFFFF, v63;
	[tilespmem:s17+$0xFFFFFFE0] =	vst v8  }
0xd2: {  	v7 =	vnsel vm1, $0xFFFFFFFF, v7;
	[tilespmem:s17+$0xFFFFFFF0] =	vst v9  }
0xd3: {  	s2 =	simm.s32 $0xFFFFFFF8;
	s5 =	simm.s32 $0x16140;
	[tilespmem:s17+$0x0] =	vst v7  }
.LBB2_7:
0xd4: {  	v7 =	vld [tilespmem:s5+$0xFFFFFFC0];
	_ =	sdelay $0x4  }
0xd5: {  	vm1 =	vgt.s32 v7, $0xFFFFFFFF  }
0xd6: {  	v8 =	vshra.s32 v7, $0xF;
	_ =	sdelay $0x3  }
0xd7: {  	v7 =	vand.u32 $0x7FFF, v7  }
0xd8: {  	[tilespmem:v8+s21+$0x0] =	vst.idx.msk vm1, v7  }
0xd9: {  	v7 =	vld [tilespmem:s5+$0xFFFFFFD0];
	_ =	sdelay $0x4  }
0xda: {  	vm1 =	vgt.s32 v7, $0xFFFFFFFF  }
0xdb: {  	v8 =	vshra.s32 v7, $0xF;
	_ =	sdelay $0x3  }
0xdc: {  	v7 =	vand.u32 $0x7FFF, v7  }
0xdd: {  	[tilespmem:v8+s21+$0x0] =	vst.idx.msk vm1, v7  }
0xde: {  	v7 =	vld [tilespmem:s5+$0xFFFFFFE0];
	_ =	sdelay $0x4  }
0xdf: {  	vm1 =	vgt.s32 v7, $0xFFFFFFFF  }
0xe0: {  	v8 =	vshra.s32 v7, $0xF;
	_ =	sdelay $0x3  }
0xe1: {  	v7 =	vand.u32 $0x7FFF, v7  }
0xe2: {  	[tilespmem:v8+s21+$0x0] =	vst.idx.msk vm1, v7  }
0xe3: {  	v7 =	vld [tilespmem:s5+$0xFFFFFFF0];
	_ =	sdelay $0x4  }
0xe4: {  	vm1 =	vgt.s32 v7, $0xFFFFFFFF  }
0xe5: {  	v8 =	vshra.s32 v7, $0xF;
	_ =	sdelay $0x3  }
0xe6: {  	v7 =	vand.u32 $0x7FFF, v7  }
0xe7: {  	[tilespmem:v8+s21+$0x0] =	vst.idx.msk vm1, v7  }
0xe8: {  	v7 =	vld [tilespmem:s5+$0x0];
	_ =	sdelay $0x4  }
0xe9: {  	vm1 =	vgt.s32 v7, $0xFFFFFFFF  }
0xea: {  	v8 =	vshra.s32 v7, $0xF;
	_ =	sdelay $0x3  }
0xeb: {  	v7 =	vand.u32 $0x7FFF, v7  }
0xec: {  	[tilespmem:v8+s21+$0x0] =	vst.idx.msk vm1, v7  }
0xed: {  	v7 =	vld [tilespmem:s5+$0x10];
	_ =	sdelay $0x4  }
0xee: {  	vm1 =	vgt.s32 v7, $0xFFFFFFFF  }
0xef: {  	v8 =	vshra.s32 v7, $0xF;
	_ =	sdelay $0x3  }
0xf0: {  	v7 =	vand.u32 $0x7FFF, v7  }
0xf1: {  	[tilespmem:v8+s21+$0x0] =	vst.idx.msk vm1, v7  }
0xf2: {  	v7 =	vld [tilespmem:s5+$0x20];
	_ =	sdelay $0x4  }
0xf3: {  	vm1 =	vgt.s32 v7, $0xFFFFFFFF  }
0xf4: {  	v8 =	vshra.s32 v7, $0xF;
	_ =	sdelay $0x3  }
0xf5: {  	v7 =	vand.u32 $0x7FFF, v7  }
0xf6: {  	[tilespmem:v8+s21+$0x0] =	vst.idx.msk vm1, v7  }
0xf7: {  	v7 =	vld [tilespmem:s5+$0x30];
	_ =	sdelay $0x4  }
0xf8: {  	s2 =	sadd.s32 $0x8, s2;
	vm1 =	vgt.s32 v7, $0xFFFFFFFF  }
0xf9: {  	p1 =	slt.u32 s2, $0x78;
	v8 =	vshra.s32 v7, $0xF  }
.Ltmp4:
0xfa: {  	_ = 	snop;
	(pc) =	sbr.rel @p1 .LBB2_7-.Ltmp4, $3  }
0xfb: {  	_ =	sdelay $0x1  }
0xfc: {  	v7 =	vand.u32 $0x7FFF, v7  }
0xfd: {  	s5 =	sadd.s32 $0x80, s5;
	[tilespmem:v8+s21+$0x0] =	vst.idx.msk vm1, v7  }
0xfe: {  	p1 =	seq.s32 s26, $0x20  }
.Ltmp5:
0xff: {  	_ = 	snop;
	(pc) =	sbr.rel @!p1 .LBB2_4-.Ltmp5, $2  }
0x100: {  	_ =	sdelay $0x2  }
0x101: {  	p0 =	por !p0, !p0  }
0x102: {  	s5 =	simm.s32 $0x9000  }
0x103: {  	v7 =	vld [tilespmem:s5+$0x0];
	_ =	sdelay $0x4  }
0x104: {  	vm1 =	vgt.s32 v7, $0xFFFFFFFF  }
0x105: {  	v8 =	vmpcnt.ones.xlane vm1;
	_ =	sdelay $0x1  }
0x106: {  	v8 =	vxor.u32 $0x80000000, v8  }
0x107: {  	(xrf0) =	vmax.scan.msk.u32 $0xffff, v8;
	_ =	sdelay $0x1  }
0x108: {  	s2 =	simm.s32 $0x0  }
0x109: {  	v8 =	vor.u32 s2, v4;
	_ =	sdelay $0x2  }
0x10a: {  	[tilespmem:s2+$0x10000] =	vst.msk vm1, v8;
	v8, _, _ =	vpop (xrf0)  }
0x10b: {  	(v2sf) =	vpush v8, $0xF  }
0x10c: {  	s17 =	simm.s32 $0x9010;
	[tilespmem:s2+$0x13080] =	vst.msk vm1, v7  }
0x10d: {  	s26 =	simm.s32 $0x20;
	s5 =	simm.s32 $0x10;
	v7 =	vld [tilespmem:s17+$0x0]  }
.LBB2_10:
0x10e: {  	p0 =	sne.s32 s26, $0x2FF0;
	_ =	sdelay $0x3  }
0x10f: {  	vm1 =	vgt.s32 v7, $0xFFFFFFFF  }
0x110: {  	v8 =	vmpcnt.ones.xlane vm1;
	_ =	sdelay $0x1  }
0x111: {  	v8 =	vxor.u32 $0x80000000, v8  }
0x112: {  	(xrf0) =	vmax.scan.msk.u32 $0xffff, v8;
	_ =	sdelay $0x3  }
0x113: {  	s28 =	spop (v2sf)  }
.Ltmp6:
0x114: {  	s2 =	sadd.s32 s28, s2;
	(pc) =	sbr.rel @p0 .LBB2_10-.Ltmp6, $4  }
0x115: {  	v8 =	vor.u32 s5, v4;
	s5 =	smov.u32 s26;
	v9, _, _ =	vpop (xrf0);
	s2 =	sadd.s32 $0x80000000, s2  }
0x116: {  	[tilespmem:s2+$0x10000] =	vst.msk vm1, v8;
	(v2sf) =	vpush v9, $0xF  }
0x117: {  	s17 =	sadd.s32 $0x10, s17;
	[tilespmem:s2+$0x13080] =	vst.msk vm1, v7  }
0x118: {  	s26 =	sadd.s32 $0x10, s26;
	v7 =	vld [tilespmem:s17+$0x0]  }
0x119: {  	_ =	sdelay $0x3  }
0x11a: {  	vm1 =	vgt.s32 v7, $0xFFFFFFFF  }
0x11b: {  	v8 =	vmpcnt.ones.xlane vm1;
	_ =	sdelay $0x1  }
0x11c: {  	v8 =	vxor.u32 $0x80000000, v8  }
0x11d: {  	(xrf0) =	vmax.scan.msk.u32 $0xffff, v8;
	_ =	sdelay $0x5  }
0x11e: {  	v8, _, _ =	vpop (xrf0)  }
0x11f: {  	(v2sf) =	vpush v8, $0xF;
	_ =	sdelay $0xb  }
0x120: {  	s17 =	spop (v2sf)  }
0x121: {  	s2 =	sadd.s32 s17, s2  }
0x122: {  	s2 =	sadd.s32 $0x80000000, s2;
	v8 =	vor.u32 s5, v4  }
0x123: {  	[tilespmem:s2+$0x10000] =	vst.msk vm1, v8;
	s30 =	spop (v2sf)  }
0x124: {  	[tilespmem:s2+$0x13080] =	vst.msk vm1, v7;
	s2 =	sadd.s32 s30, s2  }
0x125: {  	_ =	swait.ge [sflag:s22], $0x3000;
	s2 =	sadd.s32 $0x80000000, s2  }
0x126: {  	[sflag:s22] =	ssyncset.done $0x0;
	s31 =	sadd.s32 $0x7F, s2  }
0x127: {  	[sflag:s22] =	ssyncadd.s32 $0xFFFFD000;
	s26 =	sshra.s32 s31, $0x7  }
0x128: {  	_ =	swait.ge [sflag:s22], $0x3000;
	p0 =	slt.s32 s26, $0x1  }
.Ltmp7:
0x129: {  	[sflag:s22] =	ssyncset.done $0x0;
	(pc) =	sbr.rel @p0 .LBB2_15-.Ltmp7, $4  }
0x12a: {  	[sflag:s22] =	ssyncadd.s32 $0xFFFFD000  }
0x12b: {  	_ =	swait.ge [sflag:s22], $0x3000  }
0x12c: {  	[sflag:s22] =	ssyncset.done $0x0  }
0x12d: {  	[sflag:s22] =	ssyncadd.s32 $0xFFFFD000  }
0x12e: {  	s5 =	simm.s32 $0x16100;
	s17 =	simm.s32 $0x13080  }
0x12f: {  	[tilespmem:s5], [sflag:$0x3] =	stream.indirect.gather [hbm4b:s6+s23], $0x1, s17, s23, $0xb8;
	[tilespmem:$0x1F280] =	vst v63  }
0x130: {  	s28 =	simm.s32 $0x19180  }
0x131: {  	[tilespmem:s28], [sflag:$0x3] =	stream.indirect.gather [hbm4b:s8+s23], $0x1, s17, s23, $0xb8;
	[tilespmem:$0x1F280] =	vst v63  }
0x132: {  	s28 =	simm.s32 $0x1C200  }
0x133: {  	[tilespmem:s28], [sflag:$0x3] =	stream.indirect.gather [hbm4b:s9+s23], $0x1, s17, s23, $0xb8;
	[tilespmem:$0x1F280] =	vst v63  }
0x134: {  	_ =	swait.ge [sflag:s22], $0x80  }
0x135: {  	[sflag:s22] =	ssyncset.done $0x0  }
0x136: {  	p0 =	sne.s32 s26, $0x1;
	[sflag:s22] =	ssyncadd.s32 $0xFFFFFF80  }
.Ltmp8:
0x137: {  	_ =	swait.ge [sflag:s22], $0x80;
	(pc) =	sbr.rel @!p0 .LBB2_14-.Ltmp8, $4  }
0x138: {  	[sflag:s22] =	ssyncset.done $0x0  }
0x139: {  	[sflag:s22] =	ssyncadd.s32 $0xFFFFFF80  }
0x13a: {  	s26 =	sadd.s32 $0xFFFFFFFF, s26;
	_ =	swait.ge [sflag:s22], $0x80  }
0x13b: {  	s29 =	simm.s32 $0x1C280;
	s28 =	simm.s32 $0x19200;
	[sflag:s22] =	ssyncset.done $0x0  }
.LBB2_13:
0x13c: {  	[sflag:s22] =	ssyncadd.s32 $0xFFFFFF80;
	s5 =	sadd.s32 $0x80, s5;
	s17 =	sadd.s32 $0x80, s17  }
0x13d: {  	[tilespmem:s5], [sflag:$0x3] =	stream.indirect.gather [hbm4b:s6+s23], $0x1, s17, s23, $0xb8;
	[tilespmem:$0x1F280] =	vst v63  }
0x13e: {  	p0 =	sne.s32 s26, $0x1;
	s26 =	sadd.s32 $0xFFFFFFFF, s26  }
0x13f: {  	[tilespmem:s28], [sflag:$0x3] =	stream.indirect.gather [hbm4b:s8+s23], $0x1, s17, s23, $0xb8;
	[tilespmem:$0x1F280] =	vst v63  }
0x140: {  	_ = 	snop  }
0x141: {  	[tilespmem:s29], [sflag:$0x3] =	stream.indirect.gather [hbm4b:s9+s23], $0x1, s17, s23, $0xb8;
	[tilespmem:$0x1F280] =	vst v63  }
0x142: {  	_ =	swait.ge [sflag:s22], $0x80  }
0x143: {  	[sflag:s22] =	ssyncset.done $0x0  }
0x144: {  	[sflag:s22] =	ssyncadd.s32 $0xFFFFFF80  }
.Ltmp9:
0x145: {  	_ =	swait.ge [sflag:s22], $0x80;
	(pc) =	sbr.rel @p0 .LBB2_13-.Ltmp9, $4  }
0x146: {  	[sflag:s22] =	ssyncset.done $0x0  }
0x147: {  	[sflag:s22] =	ssyncadd.s32 $0xFFFFFF80  }
0x148: {  	_ =	swait.ge [sflag:s22], $0x80  }
0x149: {  	s28 =	sadd.s32 $0x80, s28;
	s29 =	sadd.s32 $0x80, s29;
	[sflag:s22] =	ssyncset.done $0x0  }
.LBB2_14:
0x14a: {  	[sflag:s22] =	ssyncadd.s32 $0xFFFFFF80  }
.LBB2_15:
0x14b: {  	s5 =	sadd.s32 $0xF, s2  }
0x14c: {  	s26 =	sshra.s32 s5, $0x4  }
0x14d: {  	p0 =	slt.s32 s26, $0x1  }
.Ltmp10:
0x14e: {  	_ = 	snop;
	(pc) =	sbr.rel @p0 .LBB2_19-.Ltmp10, $1  }
0x14f: {  	_ =	sdelay $0x3  }
0x150: {  	s5 =	simm.s32 $0x10000  }
0x151: {  	s17 =	simm.s32 $0x0;
	v8 =	vld [tilespmem:s5+$0x0]  }
0x152: {  	v7 =	vmov s2;
	v9 =	vor.u32 s17, v4  }
0x153: {  	s2 =	simm.s32 $0x16100;
	vm1 =	vlt.s32 v9, v7  }
0x154: {  	v9 =	vld [tilespmem:s2+$0x0];
	_ =	sdelay $0x4  }
0x155: {  	s17 =	simm.s32 $0x19180;
	[tilespmem:v8+s7+$0x0] =	vst.idx.msk vm1, v9  }
0x156: {  	v9 =	vld [tilespmem:s17+$0x0];
	_ =	sdelay $0x4  }
0x157: {  	s28 =	simm.s32 $0x1C200;
	p0 =	sne.s32 s26, $0x1;
	[tilespmem:v8+s15+$0x0] =	vst.idx.msk vm1, v9  }
.Ltmp11:
0x158: {  	v9 =	vld [tilespmem:s28+$0x0];
	(pc) =	sbr.rel @!p0 .LBB2_18-.Ltmp11, $2  }
0x159: {  	_ =	sdelay $0x2  }
0x15a: {  	s26 =	sadd.s32 $0xFFFFFFFF, s26;
	s29 =	simm.s32 $0x10;
	s28 =	simm.s32 $0x1C210  }
.LBB2_17:
0x15b: {  	[tilespmem:v8+s16+$0x0] =	vst.idx.msk vm1, v9;
	s5 =	sadd.s32 $0x10, s5;
	s2 =	sadd.s32 $0x10, s2;
	s17 =	sadd.s32 $0x10, s17  }
0x15c: {  	p0 =	sne.s32 s26, $0x1;
	s26 =	sadd.s32 $0xFFFFFFFF, s26;
	v8 =	vld [tilespmem:s5+$0x0]  }
0x15d: {  	v9 =	vor.u32 s29, v4  }
0x15e: {  	vm1 =	vlt.s32 v9, v7  }
0x15f: {  	v9 =	vld [tilespmem:s2+$0x0];
	_ =	sdelay $0x4  }
0x160: {  	[tilespmem:v8+s7+$0x0] =	vst.idx.msk vm1, v9  }
0x161: {  	v9 =	vld [tilespmem:s17+$0x0];
	_ =	sdelay $0x4  }
0x162: {  	[tilespmem:v8+s15+$0x0] =	vst.idx.msk vm1, v9  }
.Ltmp12:
0x163: {  	v9 =	vld [tilespmem:s28+$0x0];
	(pc) =	sbr.rel @p0 .LBB2_17-.Ltmp12, $2  }
0x164: {  	_ =	sdelay $0x2  }
0x165: {  	s29 =	sadd.s32 $0x10, s29;
	s28 =	sadd.s32 $0x10, s28  }
.Ltmp13:
0x166: {  	_ = 	snop;
	(pc) =	sbr.rel .LBB2_18-.Ltmp13, $1  }
0x167: {  	_ =	sdelay $0x3  }
.LBB2_20:
0x168: {  	_ =	sfence.sel $0x180000  }
0x169: {  	[bflag:$0x0] =	sbarrier.arrive $0xFFFF  }
0x16a: {  	_ =	strace $0x90000047  }
0x16b: {  	s0 =	stileid.u32;
	[bflag:$0x2] =	sbarrier.arrive $0xFFFF  }
0x16c: {  	p0 =	sne.s32 s0, $0x0;
	s0 =	rddreg [dreg:$0x6]  }
0x16d: {  	s0 =	sadd.s32 @!p0 $0x100000, s0  }
0x16e: {  	[sflag:s0] =	ssyncadd.tile.s32 @!p0 $0x1;
	_ =	shalt  }
.Lfunc_end2:
_tile_overlayer_lowered:
.L_overlay_start_2:
0x16f: {  	(tag) =	ssettag $0x2  }
0x170: {  	s0 =	rddreg [dreg:$0x0];
	s2 =	stileid.u32  }
0x171: {  	s1 =	rddreg [dreg:$0x1];
	p0 =	sne.s32 s2, $0x0  }
0x172: {  	s3 =	rddreg [dreg:$0x2];
	[bflag:$0x3] =	sbarrier.arrive $0xFFFF;
	s2 =	simm.s32 @!p0 $0x1C04  }
0x173: {  	[timem:s3], [sflag:s2] =	dma.local @!p0 [hbm:s0], s1  }
0x174: {  	s0 =	simm.s32 @!p0 $0x4  }
0x175: {  	_ =	swait.ge @!p0 [sflag:s0], s1  }
0x176: {  	s1 =	ssub.s32 @!p0 $0x0, s1;
	[sflag:s0] =	ssyncset.done @!p0 $0x0  }
0x177: {  	[sflag:s0] =	ssyncadd.s32 @!p0 s1  }
0x178: {  	[bflag:$0x3] =	sbarrier.arrive $0xFFFF  }
0x179: {  	_ =	shalt  }

</sc_bundles>
